<compile_context>
chip_gen: v7x
topology: tpu7x:2x2x1
jax: 0.10.2.dev20260603
libtpu: 0.0.44.dev20260713+nightly
codegen_flags: <defaults>
</compile_context>

<pallas_src>
import functools

import jax
import jax.numpy as jnp
from jax import lax
from jax.experimental import pallas as pl
from jax.experimental.pallas import tpu as pltpu
from jax.experimental.pallas import tpu_sc as plsc

BS, NA, D = 2, 900, 256
C, H, W = 256, 200, 200
HW = H * W
L = 16
NC, NS = 2, 16
NW = NC * NS
BPAD = 1024
NPAD = BS * BPAD
CPW = C // NW
NG = NPAD // L
NGB = BPAD // L

XMIN, XMAX = -80.0, 120.0
YMIN, YMAX = -40.0, 40.0

_mesh = plsc.VectorSubcoreMesh(
    core_axis_name="c", subcore_axis_name="s", num_cores=NC, num_subcores=NS)


def _floor_i(x):
    t = x.astype(jnp.int32)
    tf = t.astype(jnp.float32)
    t = t - jnp.where(tf > x, 1, 0)
    return t, t.astype(jnp.float32)


@functools.partial(
    pl.kernel,
    out_type=jax.ShapeDtypeStruct((C, NPAD), jnp.float32),
    mesh=_mesh,
    scratch_types=[
        pltpu.VMEM((NPAD,), jnp.float32),
        pltpu.VMEM((NPAD,), jnp.float32),
        pltpu.VMEM((4 * NPAD,), jnp.int32),
        pltpu.VMEM((4 * NPAD,), jnp.float32),
        pltpu.VMEM((HW,), jnp.float32),
        pltpu.VMEM((HW,), jnp.float32),
        pltpu.VMEM((BPAD,), jnp.float32),
        pltpu.SemaphoreType.DMA,
        pltpu.SemaphoreType.DMA,
    ],
    compiler_params=pltpu.CompilerParams(needs_layout_passes=False),
)
def _sc_bilinear(ax_hbm, ay_hbm, fm_hbm, out_hbm,
                 ax_v, ay_v, idx_v, w_v, buf0, buf1, frow, sem0, sem1):
    wid = lax.axis_index("s") * NC + lax.axis_index("c")
    c0 = wid * CPW

    pltpu.async_copy(fm_hbm.at[c0], buf0, sem0)
    pltpu.async_copy(fm_hbm.at[C + c0], buf1, sem1)

    pltpu.sync_copy(ax_hbm, ax_v)
    pltpu.sync_copy(ay_hbm, ay_v)

    @plsc.parallel_loop(0, NG, unroll=2)
    def _prelude(g):
        x = ax_v[pl.ds(g * L, L)]
        y = ay_v[pl.ds(g * L, L)]
        gx = (y - YMIN) / (YMAX - YMIN + 1e-06) * 2.0 - 1.0
        gy = (x - XMIN) / (XMAX - XMIN + 1e-06) * 2.0 - 1.0
        ix = (gx + 1.0) * 0.5 * (W - 1)
        iy = (gy + 1.0) * 0.5 * (H - 1)
        ix = jnp.clip(ix, -4.0, W + 4.0)
        iy = jnp.clip(iy, -4.0, H + 4.0)
        x0, x0f = _floor_i(ix)
        y0, y0f = _floor_i(iy)
        dx0 = ix - x0f
        dx1 = (x0f + 1.0) - ix
        dy0 = iy - y0f
        dy1 = (y0f + 1.0) - iy
        vx0 = (x0 >= 0) & (x0 < W)
        vx1 = (x0 >= -1) & (x0 < W - 1)
        vy0 = (y0 >= 0) & (y0 < H)
        vy1 = (y0 >= -1) & (y0 < H - 1)
        xc0 = jnp.clip(x0, 0, W - 1)
        xc1 = jnp.clip(x0 + 1, 0, W - 1)
        yo0 = jnp.clip(y0, 0, H - 1) * W
        yo1 = jnp.clip(y0 + 1, 0, H - 1) * W
        corners = (
            (yo0 + xc0, vy0 & vx0, dx1 * dy1),
            (yo1 + xc0, vy1 & vx0, dx1 * dy0),
            (yo0 + xc1, vy0 & vx1, dx0 * dy1),
            (yo1 + xc1, vy1 & vx1, dx0 * dy0),
        )
        for k, (pix, valid, wgt) in enumerate(corners):
            idx_v[pl.ds(k * NPAD + g * L, L)] = pix
            w_v[pl.ds(k * NPAD + g * L, L)] = jnp.where(valid, wgt, 0.0)

    @pl.loop(0, CPW)
    def _planes(ci):
        c = c0 + ci
        for b, buf, sem in ((0, buf0, sem0), (1, buf1, sem1)):
            pltpu.make_async_copy(fm_hbm.at[0], buf, sem).wait()

            @plsc.parallel_loop(0, NGB, unroll=4)
            def _acc(g):
                s = b * BPAD + g * L
                v00 = plsc.load_gather(buf, [idx_v[pl.ds(0 * NPAD + s, L)]])
                v10 = plsc.load_gather(buf, [idx_v[pl.ds(1 * NPAD + s, L)]])
                v01 = plsc.load_gather(buf, [idx_v[pl.ds(2 * NPAD + s, L)]])
                v11 = plsc.load_gather(buf, [idx_v[pl.ds(3 * NPAD + s, L)]])
                frow[pl.ds(g * L, L)] = (
                    w_v[pl.ds(0 * NPAD + s, L)] * v00
                    + w_v[pl.ds(1 * NPAD + s, L)] * v10
                    + w_v[pl.ds(2 * NPAD + s, L)] * v01
                    + w_v[pl.ds(3 * NPAD + s, L)] * v11)

            @pl.when(ci < CPW - 1)
            def _start_next():
                pltpu.async_copy(fm_hbm.at[b * C + c + 1], buf, sem)

            pltpu.sync_copy(frow, out_hbm.at[c, pl.ds(b * BPAD, BPAD)])


def _mm_body(ft_ref, w_ref, b_ref, inst_ref, o_ref):
    o_ref[...] = (
        lax.dot_general(ft_ref[...], w_ref[...], (((0,), (1,)), ((), ())),
                        preferred_element_type=jnp.float32)
        + b_ref[...] + inst_ref[...])


def _tc_proj(featsT, w_proj, b2, inst):
    return pl.pallas_call(
        _mm_body,
        out_shape=jax.ShapeDtypeStruct((NPAD, D), jnp.float32),
    )(featsT, w_proj, b2, inst)


def kernel(instance_feature, anchor, anchor_embed, feature_maps, W_proj, b_proj):
    ax = jnp.pad(anchor[..., 0], ((0, 0), (0, BPAD - NA))).reshape(-1)
    ay = jnp.pad(anchor[..., 1], ((0, 0), (0, BPAD - NA))).reshape(-1)
    fm2d = feature_maps.reshape(BS * C, HW)
    featsT = _sc_bilinear(ax, ay, fm2d)
    inst = jnp.pad(instance_feature, ((0, 0), (0, BPAD - NA), (0, 0)))
    out = _tc_proj(featsT, W_proj, b_proj.reshape(1, D), inst.reshape(NPAD, D))
    return out.reshape(BS, BPAD, D)[:, :NA, :]

# --- scband reference (transcript-rebuilt; emitter-appended) ---
"""Pipeline reference for scband-bevfeature-aggregation-65326452572536 (READ-ONLY COPY).

The authoritative reference and input builder live on the scoring server;
editing this copy changes nothing except your own understanding.
"""

import jax, jax.numpy as jnp
import numpy as np

BS, NA, D = 2, 900, 256
C, H, W = 256, 200, 200


def setup_inputs(seed: int = 0) -> dict:
    key = jax.random.key(seed)
    k1, k2, k3, k4, k5 = jax.random.split(key, 5)
    instance_feature = jax.random.normal(k1, (BS, NA, D), dtype=jnp.float32)
    anchor = jax.random.normal(k2, (BS, NA, 11), dtype=jnp.float32)
    anchor_embed = jax.random.normal(k3, (BS, NA, D), dtype=jnp.float32)
    feature_maps = jax.random.normal(k4, (BS, C, H, W), dtype=jnp.float32)
    W_proj = jax.random.normal(k5, (D, D), dtype=jnp.float32) * 0.02
    b_proj = jnp.zeros((D,), dtype=jnp.float32)
    return {
        'instance_feature': instance_feature,
        'anchor': anchor,
        'anchor_embed': anchor_embed,
        'feature_maps': feature_maps,
        'W_proj': W_proj,
        'b_proj': b_proj,
    }


def _grid_sample_bilinear(bev, gx, gy):
    # bev: (bs, C, H, W); gx, gy: (bs, N). align_corners=True, padding_mode='zeros'.
    bs, c, h, w = bev.shape
    ix = (gx + 1.0) * 0.5 * (w - 1)
    iy = (gy + 1.0) * 0.5 * (h - 1)
    x0 = jnp.floor(ix)
    y0 = jnp.floor(iy)
    x1 = x0 + 1.0
    y1 = y0 + 1.0
    wa = (x1 - ix) * (y1 - iy)
    wb = (x1 - ix) * (iy - y0)
    wc = (ix - x0) * (y1 - iy)
    wd = (ix - x0) * (iy - y0)
    bevc = jnp.transpose(bev, (0, 2, 3, 1))  # (bs, H, W, C)
    bidx = jnp.arange(bs)[:, None]

    def gather(yc, xc):
        yi = yc.astype(jnp.int32)
        xi = xc.astype(jnp.int32)
        valid = (yi >= 0) & (yi < h) & (xi >= 0) & (xi < w)
        yi = jnp.clip(yi, 0, h - 1)
        xi = jnp.clip(xi, 0, w - 1)
        v = bevc[bidx, yi, xi]  # (bs, N, C) gather
        return v * valid[..., None].astype(bev.dtype)

    out = (gather(y0, x0) * wa[..., None]
           + gather(y1, x0) * wb[..., None]
           + gather(y0, x1) * wc[..., None]
           + gather(y1, x1) * wd[..., None])
    return out  # (bs, N, C)


def reference(instance_feature, anchor, anchor_embed, feature_maps, W_proj, b_proj):
    bs, num_anchor = instance_feature.shape[:2]
    num_pts = 1
    # kps_generator is None: key_points = anchor[..., [X, Y, Z]].unsqueeze(2), X,Y,Z = 0,1,2
    key_points = anchor[..., :3][:, :, None, :]  # (bs, na, 1, 3)
    xy = key_points[..., :2]
    xmin, xmax = -80.0, 120.0
    ymin, ymax = -40.0, 40.0
    grid_x = (xy[..., 0] - xmin) / (xmax - xmin + 1e-06) * 2.0 - 1.0
    grid_y = (xy[..., 1] - ymin) / (ymax - ymin + 1e-06) * 2.0 - 1.0
    grid = jnp.stack([grid_y, grid_x], axis=-1).reshape(bs, num_anchor * num_pts, 2)
    # torch grid_sample convention: grid[..., 0] indexes W, grid[..., 1] indexes H
    gx = grid[..., 0]
    gy = grid[..., 1]
    sampled = _grid_sample_bilinear(feature_maps, gx, gy)  # (bs, na*pts, C)
    feats = sampled.reshape(bs, num_anchor, num_pts, -1).sum(axis=2)  # (bs, na, C)
    output = feats @ W_proj.T + b_proj  # proj_drop is identity (p=0)
    output = output + instance_feature  # residual_mode='add'
    return output

if __name__ == "__main__":
    import jax
    _d = setup_inputs()
    print(jax.jit(kernel)(*tuple(_d.values())))

</pallas_src>

<mosaic_0001>
#map = affine_map<(d0, d1) -> (0)>
#map1 = affine_map<(d0, d1) -> (0, 0)>
module attributes {stable_mosaic.version = 14 : i64} {
  func.func @_sc_bilinear(%arg0: i32, %arg1: i32, %arg2: memref<2048xf32, #tpu.memory_space<hbm>>, %arg3: memref<2048xf32, #tpu.memory_space<hbm>>, %arg4: memref<512x40000xf32, #tpu.memory_space<hbm>>, %arg5: memref<256x2048xf32, #tpu.memory_space<hbm>>, %arg6: memref<2048xf32, #tpu.memory_space<vmem>>, %arg7: memref<2048xf32, #tpu.memory_space<vmem>>, %arg8: memref<8192xi32, #tpu.memory_space<vmem>>, %arg9: memref<8192xf32, #tpu.memory_space<vmem>>, %arg10: memref<40000xf32, #tpu.memory_space<vmem>>, %arg11: memref<40000xf32, #tpu.memory_space<vmem>>, %arg12: memref<1024xf32, #tpu.memory_space<vmem>>, %arg13: memref<!tpu.dma_semaphore, #tpu.memory_space<semaphore_mem>>, %arg14: memref<!tpu.dma_semaphore, #tpu.memory_space<semaphore_mem>>) attributes {dimension_semantics = [#tpu.dimension_semantics<core_parallel>, #tpu.dimension_semantics<subcore_parallel>], iteration_bounds = array<i64: 2, 16>, scalar_prefetch = 0 : i64, scratch_operands = 9 : i64, tpu.core_type = #tpu.core_type<sc_vector_subcore>, window_params = [{transform_indices = #map}, {transform_indices = #map}, {transform_indices = #map1}, {transform_indices = #map1}]} {
    %mul3A = arith.constant 2 : i32
    %mul3A_0 = arith.muli %arg1, %mul3A : i32
    %add3A = arith.addi %mul3A_0, %arg0 : i32
    %mul3A_1 = arith.constant 8 : i32
    %mul3A_2 = arith.muli %add3A, %mul3A_1 : i32
    %dma_start3A = arith.constant 0 : i32
    %dma_start3A_3 = tpu.memref_slice %arg4[%mul3A_2, %dma_start3A] : memref<512x40000xf32, #tpu.memory_space<hbm>> -> memref<1x40000xf32, #tpu.memory_space<hbm>>
    %dma_start3A_4 = tpu.memref_squeeze %dma_start3A_3 : memref<1x40000xf32, #tpu.memory_space<hbm>> -> memref<40000xf32, #tpu.memory_space<hbm>>
    %dma_start3A_5 = arith.constant 0 : i32
    %dma_start3A_6 = tpu.memref_slice %arg4[%mul3A_2, %dma_start3A_5] : memref<512x40000xf32, #tpu.memory_space<hbm>> -> memref<1x40000xf32, #tpu.memory_space<hbm>>
    %dma_start3A_7 = tpu.memref_squeeze %dma_start3A_6 : memref<1x40000xf32, #tpu.memory_space<hbm>> -> memref<40000xf32, #tpu.memory_space<hbm>>
    tpu.enqueue_dma source(%dma_start3A_7 : memref<40000xf32, #tpu.memory_space<hbm>>) target(%arg10 : memref<40000xf32, #tpu.memory_space<vmem>>) target_semaphore(%arg13 : memref<!tpu.dma_semaphore, #tpu.memory_space<semaphore_mem>>)
    %add3A_8 = arith.constant 256 : i32
    %add3A_9 = arith.addi %add3A_8, %mul3A_2 : i32
    %dma_start3A_10 = arith.constant 0 : i32
    %dma_start3A_11 = tpu.memref_slice %arg4[%add3A_9, %dma_start3A_10] : memref<512x40000xf32, #tpu.memory_space<hbm>> -> memref<1x40000xf32, #tpu.memory_space<hbm>>
    %dma_start3A_12 = tpu.memref_squeeze %dma_start3A_11 : memref<1x40000xf32, #tpu.memory_space<hbm>> -> memref<40000xf32, #tpu.memory_space<hbm>>
    %dma_start3A_13 = arith.constant 0 : i32
    %dma_start3A_14 = tpu.memref_slice %arg4[%add3A_9, %dma_start3A_13] : memref<512x40000xf32, #tpu.memory_space<hbm>> -> memref<1x40000xf32, #tpu.memory_space<hbm>>
    %dma_start3A_15 = tpu.memref_squeeze %dma_start3A_14 : memref<1x40000xf32, #tpu.memory_space<hbm>> -> memref<40000xf32, #tpu.memory_space<hbm>>
    tpu.enqueue_dma source(%dma_start3A_15 : memref<40000xf32, #tpu.memory_space<hbm>>) target(%arg11 : memref<40000xf32, #tpu.memory_space<vmem>>) target_semaphore(%arg14 : memref<!tpu.dma_semaphore, #tpu.memory_space<semaphore_mem>>)
    "tpu.region"() ({
      %run_scoped3A = tpu.sem_alloc : memref<!tpu.dma_semaphore, #tpu.memory_space<semaphore_mem>>
      tpu.enqueue_dma source(%arg2 : memref<2048xf32, #tpu.memory_space<hbm>>) target(%arg6 : memref<2048xf32, #tpu.memory_space<vmem>>) target_semaphore(%run_scoped3A : memref<!tpu.dma_semaphore, #tpu.memory_space<semaphore_mem>>)
      tpu.wait_dma2 semaphore(%run_scoped3A : memref<!tpu.dma_semaphore, #tpu.memory_space<semaphore_mem>>) src(%arg2 : memref<2048xf32, #tpu.memory_space<hbm>>) dst(%arg6 : memref<2048xf32, #tpu.memory_space<vmem>>)
      tpu.yield
    }) : () -> ()
    "tpu.region"() ({
      %run_scoped3A = tpu.sem_alloc : memref<!tpu.dma_semaphore, #tpu.memory_space<semaphore_mem>>
      tpu.enqueue_dma source(%arg3 : memref<2048xf32, #tpu.memory_space<hbm>>) target(%arg7 : memref<2048xf32, #tpu.memory_space<vmem>>) target_semaphore(%run_scoped3A : memref<!tpu.dma_semaphore, #tpu.memory_space<semaphore_mem>>)
      tpu.wait_dma2 semaphore(%run_scoped3A : memref<!tpu.dma_semaphore, #tpu.memory_space<semaphore_mem>>) src(%arg3 : memref<2048xf32, #tpu.memory_space<hbm>>) dst(%arg7 : memref<2048xf32, #tpu.memory_space<vmem>>)
      tpu.yield
    }) : () -> ()
    %parallel_loop3A = arith.constant 0 : i32
    %parallel_loop3A_16 = arith.constant 128 : i32
    %parallel_loop3A_17 = arith.constant 1 : i32
    scf.for %parallel_loop3A_22 = %parallel_loop3A to %parallel_loop3A_16 step %parallel_loop3A_17  : i32 {
      %parallel_loop3A_23 = arith.constant 16 : i32
      %parallel_loop3A_24 = arith.muli %parallel_loop3A_22, %parallel_loop3A_23 : i32
      %parallel_loop3A_25 = arith.index_cast %parallel_loop3A_24 : i32 to index
      %parallel_loop3A_26 = tpu.vector_load %arg6[%parallel_loop3A_25] {strides = array<i32>} : memref<2048xf32, #tpu.memory_space<vmem>>, vector<16xf32>,
      %parallel_loop3A_27 = arith.constant 16 : i32
      %parallel_loop3A_28 = arith.muli %parallel_loop3A_22, %parallel_loop3A_27 : i32
      %parallel_loop3A_29 = arith.index_cast %parallel_loop3A_28 : i32 to index
      %parallel_loop3A_30 = tpu.vector_load %arg7[%parallel_loop3A_29] {strides = array<i32>} : memref<2048xf32, #tpu.memory_space<vmem>>, vector<16xf32>,
      %parallel_loop3A_31 = arith.constant -4.000000e+01 : f32
      %parallel_loop3A_32 = vector.broadcast %parallel_loop3A_31 : f32 to vector<16xf32>
      %parallel_loop3A_33 = arith.subf %parallel_loop3A_30, %parallel_loop3A_32 : vector<16xf32>
      %parallel_loop3A_34 = arith.constant 8.000000e+01 : f32
      %parallel_loop3A_35 = vector.broadcast %parallel_loop3A_34 : f32 to vector<16xf32>
      %parallel_loop3A_36 = arith.divf %parallel_loop3A_33, %parallel_loop3A_35 : vector<16xf32>
      %parallel_loop3A_37 = arith.constant 2.000000e+00 : f32
      %parallel_loop3A_38 = vector.broadcast %parallel_loop3A_37 : f32 to vector<16xf32>
      %parallel_loop3A_39 = arith.mulf %parallel_loop3A_36, %parallel_loop3A_38 : vector<16xf32>
      %parallel_loop3A_40 = arith.constant 1.000000e+00 : f32
      %parallel_loop3A_41 = vector.broadcast %parallel_loop3A_40 : f32 to vector<16xf32>
      %parallel_loop3A_42 = arith.subf %parallel_loop3A_39, %parallel_loop3A_41 : vector<16xf32>
      %parallel_loop3A_43 = arith.constant -8.000000e+01 : f32
      %parallel_loop3A_44 = vector.broadcast %parallel_loop3A_43 : f32 to vector<16xf32>
      %parallel_loop3A_45 = arith.subf %parallel_loop3A_26, %parallel_loop3A_44 : vector<16xf32>
      %parallel_loop3A_46 = arith.constant 2.000000e+02 : f32
      %parallel_loop3A_47 = vector.broadcast %parallel_loop3A_46 : f32 to vector<16xf32>
      %parallel_loop3A_48 = arith.divf %parallel_loop3A_45, %parallel_loop3A_47 : vector<16xf32>
      %parallel_loop3A_49 = arith.constant 2.000000e+00 : f32
      %parallel_loop3A_50 = vector.broadcast %parallel_loop3A_49 : f32 to vector<16xf32>
      %parallel_loop3A_51 = arith.mulf %parallel_loop3A_48, %parallel_loop3A_50 : vector<16xf32>
      %parallel_loop3A_52 = arith.constant 1.000000e+00 : f32
      %parallel_loop3A_53 = vector.broadcast %parallel_loop3A_52 : f32 to vector<16xf32>
      %parallel_loop3A_54 = arith.subf %parallel_loop3A_51, %parallel_loop3A_53 : vector<16xf32>
      %parallel_loop3A_55 = arith.constant 1.000000e+00 : f32
      %parallel_loop3A_56 = vector.broadcast %parallel_loop3A_55 : f32 to vector<16xf32>
      %parallel_loop3A_57 = arith.addf %parallel_loop3A_42, %parallel_loop3A_56 : vector<16xf32>
      %parallel_loop3A_58 = arith.constant 5.000000e-01 : f32
      %parallel_loop3A_59 = vector.broadcast %parallel_loop3A_58 : f32 to vector<16xf32>
      %parallel_loop3A_60 = arith.mulf %parallel_loop3A_57, %parallel_loop3A_59 : vector<16xf32>
      %parallel_loop3A_61 = arith.constant 1.990000e+02 : f32
      %parallel_loop3A_62 = vector.broadcast %parallel_loop3A_61 : f32 to vector<16xf32>
      %parallel_loop3A_63 = arith.mulf %parallel_loop3A_60, %parallel_loop3A_62 : vector<16xf32>
      %parallel_loop3A_64 = arith.constant 1.000000e+00 : f32
      %parallel_loop3A_65 = vector.broadcast %parallel_loop3A_64 : f32 to vector<16xf32>
      %parallel_loop3A_66 = arith.addf %parallel_loop3A_54, %parallel_loop3A_65 : vector<16xf32>
      %parallel_loop3A_67 = arith.constant 5.000000e-01 : f32
      %parallel_loop3A_68 = vector.broadcast %parallel_loop3A_67 : f32 to vector<16xf32>
      %parallel_loop3A_69 = arith.mulf %parallel_loop3A_66, %parallel_loop3A_68 : vector<16xf32>
      %parallel_loop3A_70 = arith.constant 1.990000e+02 : f32
      %parallel_loop3A_71 = vector.broadcast %parallel_loop3A_70 : f32 to vector<16xf32>
      %parallel_loop3A_72 = arith.mulf %parallel_loop3A_69, %parallel_loop3A_71 : vector<16xf32>
      %parallel_loop3A_73 = arith.constant -4.000000e+00 : f32
      %parallel_loop3A_74 = arith.constant 2.040000e+02 : f32
      %parallel_loop3A_75 = vector.broadcast %parallel_loop3A_73 : f32 to vector<16xf32>
      %parallel_loop3A_76 = arith.maximumf %parallel_loop3A_75, %parallel_loop3A_63 : vector<16xf32>
      %parallel_loop3A_77 = vector.broadcast %parallel_loop3A_74 : f32 to vector<16xf32>
      %parallel_loop3A_78 = arith.minimumf %parallel_loop3A_77, %parallel_loop3A_76 : vector<16xf32>
      %parallel_loop3A_79 = arith.constant -4.000000e+00 : f32
      %parallel_loop3A_80 = arith.constant 2.040000e+02 : f32
      %parallel_loop3A_81 = vector.broadcast %parallel_loop3A_79 : f32 to vector<16xf32>
      %parallel_loop3A_82 = arith.maximumf %parallel_loop3A_81, %parallel_loop3A_72 : vector<16xf32>
      %parallel_loop3A_83 = vector.broadcast %parallel_loop3A_80 : f32 to vector<16xf32>
      %parallel_loop3A_84 = arith.minimumf %parallel_loop3A_83, %parallel_loop3A_82 : vector<16xf32>
      %parallel_loop3A_85 = arith.fptosi %parallel_loop3A_78 : vector<16xf32> to vector<16xi32>
      %parallel_loop3A_86 = arith.sitofp %parallel_loop3A_85 : vector<16xi32> to vector<16xf32>
      %parallel_loop3A_87 = arith.cmpf ogt, %parallel_loop3A_86, %parallel_loop3A_78 : vector<16xf32>
      %parallel_loop3A_88 = arith.constant 1 : i32
      %parallel_loop3A_89 = arith.constant 0 : i32
      %parallel_loop3A_90 = vector.broadcast %parallel_loop3A_88 : i32 to vector<16xi32>
      %parallel_loop3A_91 = vector.broadcast %parallel_loop3A_89 : i32 to vector<16xi32>
      %parallel_loop3A_92 = arith.select %parallel_loop3A_87, %parallel_loop3A_90, %parallel_loop3A_91 : vector<16xi1>, vector<16xi32>
      %parallel_loop3A_93 = arith.subi %parallel_loop3A_85, %parallel_loop3A_92 : vector<16xi32>
      %parallel_loop3A_94 = arith.sitofp %parallel_loop3A_93 : vector<16xi32> to vector<16xf32>
      %parallel_loop3A_95 = arith.fptosi %parallel_loop3A_84 : vector<16xf32> to vector<16xi32>
      %parallel_loop3A_96 = arith.sitofp %parallel_loop3A_95 : vector<16xi32> to vector<16xf32>
      %parallel_loop3A_97 = arith.cmpf ogt, %parallel_loop3A_96, %parallel_loop3A_84 : vector<16xf32>
      %parallel_loop3A_98 = arith.constant 1 : i32
      %parallel_loop3A_99 = arith.constant 0 : i32
      %parallel_loop3A_100 = vector.broadcast %parallel_loop3A_98 : i32 to vector<16xi32>
      %parallel_loop3A_101 = vector.broadcast %parallel_loop3A_99 : i32 to vector<16xi32>
      %parallel_loop3A_102 = arith.select %parallel_loop3A_97, %parallel_loop3A_100, %parallel_loop3A_101 : vector<16xi1>, vector<16xi32>
      %parallel_loop3A_103 = arith.subi %parallel_loop3A_95, %parallel_loop3A_102 : vector<16xi32>
      %parallel_loop3A_104 = arith.sitofp %parallel_loop3A_103 : vector<16xi32> to vector<16xf32>
      %parallel_loop3A_105 = arith.subf %parallel_loop3A_78, %parallel_loop3A_94 : vector<16xf32>
      %parallel_loop3A_106 = arith.constant 1.000000e+00 : f32
      %parallel_loop3A_107 = vector.broadcast %parallel_loop3A_106 : f32 to vector<16xf32>
      %parallel_loop3A_108 = arith.addf %parallel_loop3A_94, %parallel_loop3A_107 : vector<16xf32>
      %parallel_loop3A_109 = arith.subf %parallel_loop3A_108, %parallel_loop3A_78 : vector<16xf32>
      %parallel_loop3A_110 = arith.subf %parallel_loop3A_84, %parallel_loop3A_104 : vector<16xf32>
      %parallel_loop3A_111 = arith.constant 1.000000e+00 : f32
      %parallel_loop3A_112 = vector.broadcast %parallel_loop3A_111 : f32 to vector<16xf32>
      %parallel_loop3A_113 = arith.addf %parallel_loop3A_104, %parallel_loop3A_112 : vector<16xf32>
      %parallel_loop3A_114 = arith.subf %parallel_loop3A_113, %parallel_loop3A_84 : vector<16xf32>
      %parallel_loop3A_115 = arith.constant 0 : i32
      %parallel_loop3A_116 = vector.broadcast %parallel_loop3A_115 : i32 to vector<16xi32>
      %parallel_loop3A_117 = arith.cmpi sge, %parallel_loop3A_93, %parallel_loop3A_116 : vector<16xi32>
      %parallel_loop3A_118 = arith.constant 200 : i32
      %parallel_loop3A_119 = vector.broadcast %parallel_loop3A_118 : i32 to vector<16xi32>
      %parallel_loop3A_120 = arith.cmpi slt, %parallel_loop3A_93, %parallel_loop3A_119 : vector<16xi32>
      %parallel_loop3A_121 = arith.andi %parallel_loop3A_117, %parallel_loop3A_120 : vector<16xi1>
      %parallel_loop3A_122 = arith.constant -1 : i32
      %parallel_loop3A_123 = vector.broadcast %parallel_loop3A_122 : i32 to vector<16xi32>
      %parallel_loop3A_124 = arith.cmpi sge, %parallel_loop3A_93, %parallel_loop3A_123 : vector<16xi32>
      %parallel_loop3A_125 = arith.constant 199 : i32
      %parallel_loop3A_126 = vector.broadcast %parallel_loop3A_125 : i32 to vector<16xi32>
      %parallel_loop3A_127 = arith.cmpi slt, %parallel_loop3A_93, %parallel_loop3A_126 : vector<16xi32>
      %parallel_loop3A_128 = arith.andi %parallel_loop3A_124, %parallel_loop3A_127 : vector<16xi1>
      %parallel_loop3A_129 = arith.constant 0 : i32
      %parallel_loop3A_130 = vector.broadcast %parallel_loop3A_129 : i32 to vector<16xi32>
      %parallel_loop3A_131 = arith.cmpi sge, %parallel_loop3A_103, %parallel_loop3A_130 : vector<16xi32>
      %parallel_loop3A_132 = arith.constant 200 : i32
      %parallel_loop3A_133 = vector.broadcast %parallel_loop3A_132 : i32 to vector<16xi32>
      %parallel_loop3A_134 = arith.cmpi slt, %parallel_loop3A_103, %parallel_loop3A_133 : vector<16xi32>
      %parallel_loop3A_135 = arith.andi %parallel_loop3A_131, %parallel_loop3A_134 : vector<16xi1>
      %parallel_loop3A_136 = arith.constant -1 : i32
      %parallel_loop3A_137 = vector.broadcast %parallel_loop3A_136 : i32 to vector<16xi32>
      %parallel_loop3A_138 = arith.cmpi sge, %parallel_loop3A_103, %parallel_loop3A_137 : vector<16xi32>
      %parallel_loop3A_139 = arith.constant 199 : i32
      %parallel_loop3A_140 = vector.broadcast %parallel_loop3A_139 : i32 to vector<16xi32>
      %parallel_loop3A_141 = arith.cmpi slt, %parallel_loop3A_103, %parallel_loop3A_140 : vector<16xi32>
      %parallel_loop3A_142 = arith.andi %parallel_loop3A_138, %parallel_loop3A_141 : vector<16xi1>
      %parallel_loop3A_143 = arith.constant 0 : i32
      %parallel_loop3A_144 = arith.constant 199 : i32
      %parallel_loop3A_145 = vector.broadcast %parallel_loop3A_143 : i32 to vector<16xi32>
      %parallel_loop3A_146 = arith.maxsi %parallel_loop3A_145, %parallel_loop3A_93 : vector<16xi32>
      %parallel_loop3A_147 = vector.broadcast %parallel_loop3A_144 : i32 to vector<16xi32>
      %parallel_loop3A_148 = arith.minsi %parallel_loop3A_147, %parallel_loop3A_146 : vector<16xi32>
      %parallel_loop3A_149 = arith.constant 1 : i32
      %parallel_loop3A_150 = vector.broadcast %parallel_loop3A_149 : i32 to vector<16xi32>
      %parallel_loop3A_151 = arith.addi %parallel_loop3A_93, %parallel_loop3A_150 : vector<16xi32>
      %parallel_loop3A_152 = arith.constant 0 : i32
      %parallel_loop3A_153 = arith.constant 199 : i32
      %parallel_loop3A_154 = vector.broadcast %parallel_loop3A_152 : i32 to vector<16xi32>
      %parallel_loop3A_155 = arith.maxsi %parallel_loop3A_154, %parallel_loop3A_151 : vector<16xi32>
      %parallel_loop3A_156 = vector.broadcast %parallel_loop3A_153 : i32 to vector<16xi32>
      %parallel_loop3A_157 = arith.minsi %parallel_loop3A_156, %parallel_loop3A_155 : vector<16xi32>
      %parallel_loop3A_158 = arith.constant 0 : i32
      %parallel_loop3A_159 = arith.constant 199 : i32
      %parallel_loop3A_160 = vector.broadcast %parallel_loop3A_158 : i32 to vector<16xi32>
      %parallel_loop3A_161 = arith.maxsi %parallel_loop3A_160, %parallel_loop3A_103 : vector<16xi32>
      %parallel_loop3A_162 = vector.broadcast %parallel_loop3A_159 : i32 to vector<16xi32>
      %parallel_loop3A_163 = arith.minsi %parallel_loop3A_162, %parallel_loop3A_161 : vector<16xi32>
      %parallel_loop3A_164 = arith.constant 200 : i32
      %parallel_loop3A_165 = vector.broadcast %parallel_loop3A_164 : i32 to vector<16xi32>
      %parallel_loop3A_166 = arith.muli %parallel_loop3A_163, %parallel_loop3A_165 : vector<16xi32>
      %parallel_loop3A_167 = arith.constant 1 : i32
      %parallel_loop3A_168 = vector.broadcast %parallel_loop3A_167 : i32 to vector<16xi32>
      %parallel_loop3A_169 = arith.addi %parallel_loop3A_103, %parallel_loop3A_168 : vector<16xi32>
      %parallel_loop3A_170 = arith.constant 0 : i32
      %parallel_loop3A_171 = arith.constant 199 : i32
      %parallel_loop3A_172 = vector.broadcast %parallel_loop3A_170 : i32 to vector<16xi32>
      %parallel_loop3A_173 = arith.maxsi %parallel_loop3A_172, %parallel_loop3A_169 : vector<16xi32>
      %parallel_loop3A_174 = vector.broadcast %parallel_loop3A_171 : i32 to vector<16xi32>
      %parallel_loop3A_175 = arith.minsi %parallel_loop3A_174, %parallel_loop3A_173 : vector<16xi32>
      %parallel_loop3A_176 = arith.constant 200 : i32
      %parallel_loop3A_177 = vector.broadcast %parallel_loop3A_176 : i32 to vector<16xi32>
      %parallel_loop3A_178 = arith.muli %parallel_loop3A_175, %parallel_loop3A_177 : vector<16xi32>
      %parallel_loop3A_179 = arith.addi %parallel_loop3A_166, %parallel_loop3A_148 : vector<16xi32>
      %parallel_loop3A_180 = arith.andi %parallel_loop3A_135, %parallel_loop3A_121 : vector<16xi1>
      %parallel_loop3A_181 = arith.mulf %parallel_loop3A_109, %parallel_loop3A_114 : vector<16xf32>
      %parallel_loop3A_182 = arith.addi %parallel_loop3A_178, %parallel_loop3A_148 : vector<16xi32>
      %parallel_loop3A_183 = arith.andi %parallel_loop3A_142, %parallel_loop3A_121 : vector<16xi1>
      %parallel_loop3A_184 = arith.mulf %parallel_loop3A_109, %parallel_loop3A_110 : vector<16xf32>
      %parallel_loop3A_185 = arith.addi %parallel_loop3A_166, %parallel_loop3A_157 : vector<16xi32>
      %parallel_loop3A_186 = arith.andi %parallel_loop3A_135, %parallel_loop3A_128 : vector<16xi1>
      %parallel_loop3A_187 = arith.mulf %parallel_loop3A_105, %parallel_loop3A_114 : vector<16xf32>
      %parallel_loop3A_188 = arith.addi %parallel_loop3A_178, %parallel_loop3A_157 : vector<16xi32>
      %parallel_loop3A_189 = arith.andi %parallel_loop3A_142, %parallel_loop3A_128 : vector<16xi1>
      %parallel_loop3A_190 = arith.mulf %parallel_loop3A_105, %parallel_loop3A_110 : vector<16xf32>
      %parallel_loop3A_191 = arith.constant 16 : i32
      %parallel_loop3A_192 = arith.muli %parallel_loop3A_22, %parallel_loop3A_191 : i32
      %parallel_loop3A_193 = arith.constant 0 : i32
      %parallel_loop3A_194 = arith.addi %parallel_loop3A_193, %parallel_loop3A_192 : i32
      %parallel_loop3A_195 = arith.index_cast %parallel_loop3A_194 : i32 to index
      %parallel_loop3A_196 = tpu.vector_load %arg8[%parallel_loop3A_195] {strides = array<i32>} : memref<8192xi32, #tpu.memory_space<vmem>>, vector<16xi32>,
      tpu.vector_store %arg8[%parallel_loop3A_195], %parallel_loop3A_179 {strides = array<i32>} : memref<8192xi32, #tpu.memory_space<vmem>>, vector<16xi32>,
      %parallel_loop3A_197 = arith.constant 0.000000e+00 : f32
      %parallel_loop3A_198 = vector.broadcast %parallel_loop3A_197 : f32 to vector<16xf32>
      %parallel_loop3A_199 = arith.select %parallel_loop3A_180, %parallel_loop3A_181, %parallel_loop3A_198 : vector<16xi1>, vector<16xf32>
      %parallel_loop3A_200 = arith.constant 16 : i32
      %parallel_loop3A_201 = arith.muli %parallel_loop3A_22, %parallel_loop3A_200 : i32
      %parallel_loop3A_202 = arith.constant 0 : i32
      %parallel_loop3A_203 = arith.addi %parallel_loop3A_202, %parallel_loop3A_201 : i32
      %parallel_loop3A_204 = arith.index_cast %parallel_loop3A_203 : i32 to index
      %parallel_loop3A_205 = tpu.vector_load %arg9[%parallel_loop3A_204] {strides = array<i32>} : memref<8192xf32, #tpu.memory_space<vmem>>, vector<16xf32>,
      tpu.vector_store %arg9[%parallel_loop3A_204], %parallel_loop3A_199 {strides = array<i32>} : memref<8192xf32, #tpu.memory_space<vmem>>, vector<16xf32>,
      %parallel_loop3A_206 = arith.constant 16 : i32
      %parallel_loop3A_207 = arith.muli %parallel_loop3A_22, %parallel_loop3A_206 : i32
      %parallel_loop3A_208 = arith.constant 2048 : i32
      %parallel_loop3A_209 = arith.addi %parallel_loop3A_208, %parallel_loop3A_207 : i32
      %parallel_loop3A_210 = arith.index_cast %parallel_loop3A_209 : i32 to index
      %parallel_loop3A_211 = tpu.vector_load %arg8[%parallel_loop3A_210] {strides = array<i32>} : memref<8192xi32, #tpu.memory_space<vmem>>, vector<16xi32>,
      tpu.vector_store %arg8[%parallel_loop3A_210], %parallel_loop3A_182 {strides = array<i32>} : memref<8192xi32, #tpu.memory_space<vmem>>, vector<16xi32>,
      %parallel_loop3A_212 = arith.constant 0.000000e+00 : f32
      %parallel_loop3A_213 = vector.broadcast %parallel_loop3A_212 : f32 to vector<16xf32>
      %parallel_loop3A_214 = arith.select %parallel_loop3A_183, %parallel_loop3A_184, %parallel_loop3A_213 : vector<16xi1>, vector<16xf32>
      %parallel_loop3A_215 = arith.constant 16 : i32
      %parallel_loop3A_216 = arith.muli %parallel_loop3A_22, %parallel_loop3A_215 : i32
      %parallel_loop3A_217 = arith.constant 2048 : i32
      %parallel_loop3A_218 = arith.addi %parallel_loop3A_217, %parallel_loop3A_216 : i32
      %parallel_loop3A_219 = arith.index_cast %parallel_loop3A_218 : i32 to index
      %parallel_loop3A_220 = tpu.vector_load %arg9[%parallel_loop3A_219] {strides = array<i32>} : memref<8192xf32, #tpu.memory_space<vmem>>, vector<16xf32>,
      tpu.vector_store %arg9[%parallel_loop3A_219], %parallel_loop3A_214 {strides = array<i32>} : memref<8192xf32, #tpu.memory_space<vmem>>, vector<16xf32>,
      %parallel_loop3A_221 = arith.constant 16 : i32
      %parallel_loop3A_222 = arith.muli %parallel_loop3A_22, %parallel_loop3A_221 : i32
      %parallel_loop3A_223 = arith.constant 4096 : i32
      %parallel_loop3A_224 = arith.addi %parallel_loop3A_223, %parallel_loop3A_222 : i32
      %parallel_loop3A_225 = arith.index_cast %parallel_loop3A_224 : i32 to index
      %parallel_loop3A_226 = tpu.vector_load %arg8[%parallel_loop3A_225] {strides = array<i32>} : memref<8192xi32, #tpu.memory_space<vmem>>, vector<16xi32>,
      tpu.vector_store %arg8[%parallel_loop3A_225], %parallel_loop3A_185 {strides = array<i32>} : memref<8192xi32, #tpu.memory_space<vmem>>, vector<16xi32>,
      %parallel_loop3A_227 = arith.constant 0.000000e+00 : f32
      %parallel_loop3A_228 = vector.broadcast %parallel_loop3A_227 : f32 to vector<16xf32>
      %parallel_loop3A_229 = arith.select %parallel_loop3A_186, %parallel_loop3A_187, %parallel_loop3A_228 : vector<16xi1>, vector<16xf32>
      %parallel_loop3A_230 = arith.constant 16 : i32
      %parallel_loop3A_231 = arith.muli %parallel_loop3A_22, %parallel_loop3A_230 : i32
      %parallel_loop3A_232 = arith.constant 4096 : i32
      %parallel_loop3A_233 = arith.addi %parallel_loop3A_232, %parallel_loop3A_231 : i32
      %parallel_loop3A_234 = arith.index_cast %parallel_loop3A_233 : i32 to index
      %parallel_loop3A_235 = tpu.vector_load %arg9[%parallel_loop3A_234] {strides = array<i32>} : memref<8192xf32, #tpu.memory_space<vmem>>, vector<16xf32>,
      tpu.vector_store %arg9[%parallel_loop3A_234], %parallel_loop3A_229 {strides = array<i32>} : memref<8192xf32, #tpu.memory_space<vmem>>, vector<16xf32>,
      %parallel_loop3A_236 = arith.constant 16 : i32
      %parallel_loop3A_237 = arith.muli %parallel_loop3A_22, %parallel_loop3A_236 : i32
      %parallel_loop3A_238 = arith.constant 6144 : i32
      %parallel_loop3A_239 = arith.addi %parallel_loop3A_238, %parallel_loop3A_237 : i32
      %parallel_loop3A_240 = arith.index_cast %parallel_loop3A_239 : i32 to index
      %parallel_loop3A_241 = tpu.vector_load %arg8[%parallel_loop3A_240] {strides = array<i32>} : memref<8192xi32, #tpu.memory_space<vmem>>, vector<16xi32>,
      tpu.vector_store %arg8[%parallel_loop3A_240], %parallel_loop3A_188 {strides = array<i32>} : memref<8192xi32, #tpu.memory_space<vmem>>, vector<16xi32>,
      %parallel_loop3A_242 = arith.constant 0.000000e+00 : f32
      %parallel_loop3A_243 = vector.broadcast %parallel_loop3A_242 : f32 to vector<16xf32>
      %parallel_loop3A_244 = arith.select %parallel_loop3A_189, %parallel_loop3A_190, %parallel_loop3A_243 : vector<16xi1>, vector<16xf32>
      %parallel_loop3A_245 = arith.constant 16 : i32
      %parallel_loop3A_246 = arith.muli %parallel_loop3A_22, %parallel_loop3A_245 : i32
      %parallel_loop3A_247 = arith.constant 6144 : i32
      %parallel_loop3A_248 = arith.addi %parallel_loop3A_247, %parallel_loop3A_246 : i32
      %parallel_loop3A_249 = arith.index_cast %parallel_loop3A_248 : i32 to index
      %parallel_loop3A_250 = tpu.vector_load %arg9[%parallel_loop3A_249] {strides = array<i32>} : memref<8192xf32, #tpu.memory_space<vmem>>, vector<16xf32>,
      tpu.vector_store %arg9[%parallel_loop3A_249], %parallel_loop3A_244 {strides = array<i32>} : memref<8192xf32, #tpu.memory_space<vmem>>, vector<16xf32>,
    } {sc.loop_unroll_factor = 2 : i64, sc.parallel_access}
    %scan3A = arith.constant 0 : i32
    %scan3A_18 = arith.constant 8 : i32
    %scan3A_19 = arith.addi %scan3A, %scan3A_18 : i32
    %scan3A_20 = arith.constant 1 : i32
    scf.for %scan3A_22 = %scan3A to %scan3A_19 step %scan3A_20  : i32 {
      %mul3A_23 = arith.constant 1 : i32
      %mul3A_24 = arith.muli %scan3A_22, %mul3A_23 : i32
      %add3A_25 = arith.constant 0 : i32
      %add3A_26 = arith.addi %add3A_25, %mul3A_24 : i32
      %add3A_27 = arith.addi %mul3A_2, %add3A_26 : i32
      %dma_wait3A = arith.constant 0 : i32
      %dma_wait3A_28 = arith.constant 0 : i32
      %dma_wait3A_29 = tpu.memref_slice %arg4[%dma_wait3A, %dma_wait3A_28] : memref<512x40000xf32, #tpu.memory_space<hbm>> -> memref<1x40000xf32, #tpu.memory_space<hbm>>
      %dma_wait3A_30 = tpu.memref_squeeze %dma_wait3A_29 : memref<1x40000xf32, #tpu.memory_space<hbm>> -> memref<40000xf32, #tpu.memory_space<hbm>>
      %dma_wait3A_31 = arith.constant 0 : i32
      %dma_wait3A_32 = tpu.memref_slice %arg4[%dma_wait3A, %dma_wait3A_31] : memref<512x40000xf32, #tpu.memory_space<hbm>> -> memref<1x40000xf32, #tpu.memory_space<hbm>>
      %dma_wait3A_33 = tpu.memref_squeeze %dma_wait3A_32 : memref<1x40000xf32, #tpu.memory_space<hbm>> -> memref<40000xf32, #tpu.memory_space<hbm>>
      tpu.wait_dma2 semaphore(%arg13 : memref<!tpu.dma_semaphore, #tpu.memory_space<semaphore_mem>>) src(%dma_wait3A_33 : memref<40000xf32, #tpu.memory_space<hbm>>) dst(%arg10 : memref<40000xf32, #tpu.memory_space<vmem>>)
      %parallel_loop3A_34 = arith.constant 0 : i32
      %parallel_loop3A_35 = arith.constant 64 : i32
      %parallel_loop3A_36 = arith.constant 1 : i32
      scf.for %parallel_loop3A_54 = %parallel_loop3A_34 to %parallel_loop3A_35 step %parallel_loop3A_36  : i32 {
        %parallel_loop3A_55 = arith.constant 16 : i32
        %parallel_loop3A_56 = arith.muli %parallel_loop3A_54, %parallel_loop3A_55 : i32
        %parallel_loop3A_57 = arith.constant 0 : i32
        %parallel_loop3A_58 = arith.addi %parallel_loop3A_57, %parallel_loop3A_56 : i32
        %parallel_loop3A_59 = arith.constant 0 : i32
        %parallel_loop3A_60 = arith.addi %parallel_loop3A_59, %parallel_loop3A_58 : i32
        %parallel_loop3A_61 = arith.index_cast %parallel_loop3A_60 : i32 to index
        %parallel_loop3A_62 = tpu.vector_load %arg8[%parallel_loop3A_61] {strides = array<i32>} : memref<8192xi32, #tpu.memory_space<vmem>>, vector<16xi32>,
        %parallel_loop3A_63 = tpu.vector_load_idx %arg10[%parallel_loop3A_62] : memref<40000xf32, #tpu.memory_space<vmem>>[vector<16xi32>], vector<16xf32>,
        %parallel_loop3A_64 = arith.constant 2048 : i32
        %parallel_loop3A_65 = arith.addi %parallel_loop3A_64, %parallel_loop3A_58 : i32
        %parallel_loop3A_66 = arith.index_cast %parallel_loop3A_65 : i32 to index
        %parallel_loop3A_67 = tpu.vector_load %arg8[%parallel_loop3A_66] {strides = array<i32>} : memref<8192xi32, #tpu.memory_space<vmem>>, vector<16xi32>,
        %parallel_loop3A_68 = tpu.vector_load_idx %arg10[%parallel_loop3A_67] : memref<40000xf32, #tpu.memory_space<vmem>>[vector<16xi32>], vector<16xf32>,
        %parallel_loop3A_69 = arith.constant 4096 : i32
        %parallel_loop3A_70 = arith.addi %parallel_loop3A_69, %parallel_loop3A_58 : i32
        %parallel_loop3A_71 = arith.index_cast %parallel_loop3A_70 : i32 to index
        %parallel_loop3A_72 = tpu.vector_load %arg8[%parallel_loop3A_71] {strides = array<i32>} : memref<8192xi32, #tpu.memory_space<vmem>>, vector<16xi32>,
        %parallel_loop3A_73 = tpu.vector_load_idx %arg10[%parallel_loop3A_72] : memref<40000xf32, #tpu.memory_space<vmem>>[vector<16xi32>], vector<16xf32>,
        %parallel_loop3A_74 = arith.constant 6144 : i32
        %parallel_loop3A_75 = arith.addi %parallel_loop3A_74, %parallel_loop3A_58 : i32
        %parallel_loop3A_76 = arith.index_cast %parallel_loop3A_75 : i32 to index
        %parallel_loop3A_77 = tpu.vector_load %arg8[%parallel_loop3A_76] {strides = array<i32>} : memref<8192xi32, #tpu.memory_space<vmem>>, vector<16xi32>,
        %parallel_loop3A_78 = tpu.vector_load_idx %arg10[%parallel_loop3A_77] : memref<40000xf32, #tpu.memory_space<vmem>>[vector<16xi32>], vector<16xf32>,
        %parallel_loop3A_79 = arith.constant 0 : i32
        %parallel_loop3A_80 = arith.addi %parallel_loop3A_79, %parallel_loop3A_58 : i32
        %parallel_loop3A_81 = arith.index_cast %parallel_loop3A_80 : i32 to index
        %parallel_loop3A_82 = tpu.vector_load %arg9[%parallel_loop3A_81] {strides = array<i32>} : memref<8192xf32, #tpu.memory_space<vmem>>, vector<16xf32>,
        %parallel_loop3A_83 = arith.mulf %parallel_loop3A_82, %parallel_loop3A_63 : vector<16xf32>
        %parallel_loop3A_84 = arith.constant 2048 : i32
        %parallel_loop3A_85 = arith.addi %parallel_loop3A_84, %parallel_loop3A_58 : i32
        %parallel_loop3A_86 = arith.index_cast %parallel_loop3A_85 : i32 to index
        %parallel_loop3A_87 = tpu.vector_load %arg9[%parallel_loop3A_86] {strides = array<i32>} : memref<8192xf32, #tpu.memory_space<vmem>>, vector<16xf32>,
        %parallel_loop3A_88 = arith.mulf %parallel_loop3A_87, %parallel_loop3A_68 : vector<16xf32>
        %parallel_loop3A_89 = arith.addf %parallel_loop3A_83, %parallel_loop3A_88 : vector<16xf32>
        %parallel_loop3A_90 = arith.constant 4096 : i32
        %parallel_loop3A_91 = arith.addi %parallel_loop3A_90, %parallel_loop3A_58 : i32
        %parallel_loop3A_92 = arith.index_cast %parallel_loop3A_91 : i32 to index
        %parallel_loop3A_93 = tpu.vector_load %arg9[%parallel_loop3A_92] {strides = array<i32>} : memref<8192xf32, #tpu.memory_space<vmem>>, vector<16xf32>,
        %parallel_loop3A_94 = arith.mulf %parallel_loop3A_93, %parallel_loop3A_73 : vector<16xf32>
        %parallel_loop3A_95 = arith.addf %parallel_loop3A_89, %parallel_loop3A_94 : vector<16xf32>
        %parallel_loop3A_96 = arith.constant 6144 : i32
        %parallel_loop3A_97 = arith.addi %parallel_loop3A_96, %parallel_loop3A_58 : i32
        %parallel_loop3A_98 = arith.index_cast %parallel_loop3A_97 : i32 to index
        %parallel_loop3A_99 = tpu.vector_load %arg9[%parallel_loop3A_98] {strides = array<i32>} : memref<8192xf32, #tpu.memory_space<vmem>>, vector<16xf32>,
        %parallel_loop3A_100 = arith.mulf %parallel_loop3A_99, %parallel_loop3A_78 : vector<16xf32>
        %parallel_loop3A_101 = arith.addf %parallel_loop3A_95, %parallel_loop3A_100 : vector<16xf32>
        %parallel_loop3A_102 = arith.constant 16 : i32
        %parallel_loop3A_103 = arith.muli %parallel_loop3A_54, %parallel_loop3A_102 : i32
        %parallel_loop3A_104 = arith.index_cast %parallel_loop3A_103 : i32 to index
        %parallel_loop3A_105 = tpu.vector_load %arg12[%parallel_loop3A_104] {strides = array<i32>} : memref<1024xf32, #tpu.memory_space<vmem>>, vector<16xf32>,
        tpu.vector_store %arg12[%parallel_loop3A_104], %parallel_loop3A_101 {strides = array<i32>} : memref<1024xf32, #tpu.memory_space<vmem>>, vector<16xf32>,
      } {sc.loop_unroll_factor = 4 : i64, sc.parallel_access}
      %lt3A = arith.constant 7 : i32
      %lt3A_37 = arith.cmpi slt, %add3A_26, %lt3A : i32
      %convert_element_type3A = arith.extui %lt3A_37 : i1 to i32
      %cond3A = arith.constant 0 : i32
      %cond3A_38 = arith.cmpi ne, %convert_element_type3A, %cond3A : i32
      scf.if %cond3A_38 {
        %add3A_54 = arith.constant 0 : i32
        %add3A_55 = arith.addi %add3A_54, %add3A_27 : i32
        %add3A_56 = arith.constant 1 : i32
        %add3A_57 = arith.addi %add3A_55, %add3A_56 : i32
        %dma_start3A_58 = arith.constant 0 : i32
        %dma_start3A_59 = tpu.memref_slice %arg4[%add3A_57, %dma_start3A_58] : memref<512x40000xf32, #tpu.memory_space<hbm>> -> memref<1x40000xf32, #tpu.memory_space<hbm>>
        %dma_start3A_60 = tpu.memref_squeeze %dma_start3A_59 : memref<1x40000xf32, #tpu.memory_space<hbm>> -> memref<40000xf32, #tpu.memory_space<hbm>>
        %dma_start3A_61 = arith.constant 0 : i32
        %dma_start3A_62 = tpu.memref_slice %arg4[%add3A_57, %dma_start3A_61] : memref<512x40000xf32, #tpu.memory_space<hbm>> -> memref<1x40000xf32, #tpu.memory_space<hbm>>
        %dma_start3A_63 = tpu.memref_squeeze %dma_start3A_62 : memref<1x40000xf32, #tpu.memory_space<hbm>> -> memref<40000xf32, #tpu.memory_space<hbm>>
        tpu.enqueue_dma source(%dma_start3A_63 : memref<40000xf32, #tpu.memory_space<hbm>>) target(%arg10 : memref<40000xf32, #tpu.memory_space<vmem>>) target_semaphore(%arg13 : memref<!tpu.dma_semaphore, #tpu.memory_space<semaphore_mem>>)
      } else {
      }
      "tpu.region"() ({
        %run_scoped3A = tpu.sem_alloc : memref<!tpu.dma_semaphore, #tpu.memory_space<semaphore_mem>>
        %dma_start3A_54 = arith.constant 0 : i32
        %dma_start3A_55 = tpu.memref_slice %arg5[%add3A_27, %dma_start3A_54] : memref<256x2048xf32, #tpu.memory_space<hbm>> -> memref<1x1024xf32, #tpu.memory_space<hbm>>
        %dma_start3A_56 = tpu.memref_squeeze %dma_start3A_55 : memref<1x1024xf32, #tpu.memory_space<hbm>> -> memref<1024xf32, #tpu.memory_space<hbm>>
        %dma_start3A_57 = arith.constant 0 : i32
        %dma_start3A_58 = tpu.memref_slice %arg5[%add3A_27, %dma_start3A_57] : memref<256x2048xf32, #tpu.memory_space<hbm>> -> memref<1x1024xf32, #tpu.memory_space<hbm>>
        %dma_start3A_59 = tpu.memref_squeeze %dma_start3A_58 : memref<1x1024xf32, #tpu.memory_space<hbm>> -> memref<1024xf32, #tpu.memory_space<hbm>>
        tpu.enqueue_dma source(%arg12 : memref<1024xf32, #tpu.memory_space<vmem>>) target(%dma_start3A_59 : memref<1024xf32, #tpu.memory_space<hbm>>) target_semaphore(%run_scoped3A : memref<!tpu.dma_semaphore, #tpu.memory_space<semaphore_mem>>)
        %dma_wait3A_60 = arith.constant 0 : i32
        %dma_wait3A_61 = tpu.memref_slice %arg5[%add3A_27, %dma_wait3A_60] : memref<256x2048xf32, #tpu.memory_space<hbm>> -> memref<1x1024xf32, #tpu.memory_space<hbm>>
        %dma_wait3A_62 = tpu.memref_squeeze %dma_wait3A_61 : memref<1x1024xf32, #tpu.memory_space<hbm>> -> memref<1024xf32, #tpu.memory_space<hbm>>
        %dma_wait3A_63 = arith.constant 0 : i32
        %dma_wait3A_64 = tpu.memref_slice %arg5[%add3A_27, %dma_wait3A_63] : memref<256x2048xf32, #tpu.memory_space<hbm>> -> memref<1x1024xf32, #tpu.memory_space<hbm>>
        %dma_wait3A_65 = tpu.memref_squeeze %dma_wait3A_64 : memref<1x1024xf32, #tpu.memory_space<hbm>> -> memref<1024xf32, #tpu.memory_space<hbm>>
        tpu.wait_dma2 semaphore(%run_scoped3A : memref<!tpu.dma_semaphore, #tpu.memory_space<semaphore_mem>>) src(%arg12 : memref<1024xf32, #tpu.memory_space<vmem>>) dst(%dma_wait3A_65 : memref<1024xf32, #tpu.memory_space<hbm>>)
        tpu.yield
      }) : () -> ()
      %dma_wait3A_39 = arith.constant 0 : i32
      %dma_wait3A_40 = arith.constant 0 : i32
      %dma_wait3A_41 = tpu.memref_slice %arg4[%dma_wait3A_39, %dma_wait3A_40] : memref<512x40000xf32, #tpu.memory_space<hbm>> -> memref<1x40000xf32, #tpu.memory_space<hbm>>
      %dma_wait3A_42 = tpu.memref_squeeze %dma_wait3A_41 : memref<1x40000xf32, #tpu.memory_space<hbm>> -> memref<40000xf32, #tpu.memory_space<hbm>>
      %dma_wait3A_43 = arith.constant 0 : i32
      %dma_wait3A_44 = tpu.memref_slice %arg4[%dma_wait3A_39, %dma_wait3A_43] : memref<512x40000xf32, #tpu.memory_space<hbm>> -> memref<1x40000xf32, #tpu.memory_space<hbm>>
      %dma_wait3A_45 = tpu.memref_squeeze %dma_wait3A_44 : memref<1x40000xf32, #tpu.memory_space<hbm>> -> memref<40000xf32, #tpu.memory_space<hbm>>
      tpu.wait_dma2 semaphore(%arg14 : memref<!tpu.dma_semaphore, #tpu.memory_space<semaphore_mem>>) src(%dma_wait3A_45 : memref<40000xf32, #tpu.memory_space<hbm>>) dst(%arg11 : memref<40000xf32, #tpu.memory_space<vmem>>)
      %parallel_loop3A_46 = arith.constant 0 : i32
      %parallel_loop3A_47 = arith.constant 64 : i32
      %parallel_loop3A_48 = arith.constant 1 : i32
      scf.for %parallel_loop3A_54 = %parallel_loop3A_46 to %parallel_loop3A_47 step %parallel_loop3A_48  : i32 {
        %parallel_loop3A_55 = arith.constant 16 : i32
        %parallel_loop3A_56 = arith.muli %parallel_loop3A_54, %parallel_loop3A_55 : i32
        %parallel_loop3A_57 = arith.constant 1024 : i32
        %parallel_loop3A_58 = arith.addi %parallel_loop3A_57, %parallel_loop3A_56 : i32
        %parallel_loop3A_59 = arith.constant 0 : i32
        %parallel_loop3A_60 = arith.addi %parallel_loop3A_59, %parallel_loop3A_58 : i32
        %parallel_loop3A_61 = arith.index_cast %parallel_loop3A_60 : i32 to index
        %parallel_loop3A_62 = tpu.vector_load %arg8[%parallel_loop3A_61] {strides = array<i32>} : memref<8192xi32, #tpu.memory_space<vmem>>, vector<16xi32>,
        %parallel_loop3A_63 = tpu.vector_load_idx %arg11[%parallel_loop3A_62] : memref<40000xf32, #tpu.memory_space<vmem>>[vector<16xi32>], vector<16xf32>,
        %parallel_loop3A_64 = arith.constant 2048 : i32
        %parallel_loop3A_65 = arith.addi %parallel_loop3A_64, %parallel_loop3A_58 : i32
        %parallel_loop3A_66 = arith.index_cast %parallel_loop3A_65 : i32 to index
        %parallel_loop3A_67 = tpu.vector_load %arg8[%parallel_loop3A_66] {strides = array<i32>} : memref<8192xi32, #tpu.memory_space<vmem>>, vector<16xi32>,
        %parallel_loop3A_68 = tpu.vector_load_idx %arg11[%parallel_loop3A_67] : memref<40000xf32, #tpu.memory_space<vmem>>[vector<16xi32>], vector<16xf32>,
        %parallel_loop3A_69 = arith.constant 4096 : i32
        %parallel_loop3A_70 = arith.addi %parallel_loop3A_69, %parallel_loop3A_58 : i32
        %parallel_loop3A_71 = arith.index_cast %parallel_loop3A_70 : i32 to index
        %parallel_loop3A_72 = tpu.vector_load %arg8[%parallel_loop3A_71] {strides = array<i32>} : memref<8192xi32, #tpu.memory_space<vmem>>, vector<16xi32>,
        %parallel_loop3A_73 = tpu.vector_load_idx %arg11[%parallel_loop3A_72] : memref<40000xf32, #tpu.memory_space<vmem>>[vector<16xi32>], vector<16xf32>,
        %parallel_loop3A_74 = arith.constant 6144 : i32
        %parallel_loop3A_75 = arith.addi %parallel_loop3A_74, %parallel_loop3A_58 : i32
        %parallel_loop3A_76 = arith.index_cast %parallel_loop3A_75 : i32 to index
        %parallel_loop3A_77 = tpu.vector_load %arg8[%parallel_loop3A_76] {strides = array<i32>} : memref<8192xi32, #tpu.memory_space<vmem>>, vector<16xi32>,
        %parallel_loop3A_78 = tpu.vector_load_idx %arg11[%parallel_loop3A_77] : memref<40000xf32, #tpu.memory_space<vmem>>[vector<16xi32>], vector<16xf32>,
        %parallel_loop3A_79 = arith.constant 0 : i32
        %parallel_loop3A_80 = arith.addi %parallel_loop3A_79, %parallel_loop3A_58 : i32
        %parallel_loop3A_81 = arith.index_cast %parallel_loop3A_80 : i32 to index
        %parallel_loop3A_82 = tpu.vector_load %arg9[%parallel_loop3A_81] {strides = array<i32>} : memref<8192xf32, #tpu.memory_space<vmem>>, vector<16xf32>,
        %parallel_loop3A_83 = arith.mulf %parallel_loop3A_82, %parallel_loop3A_63 : vector<16xf32>
        %parallel_loop3A_84 = arith.constant 2048 : i32
        %parallel_loop3A_85 = arith.addi %parallel_loop3A_84, %parallel_loop3A_58 : i32
        %parallel_loop3A_86 = arith.index_cast %parallel_loop3A_85 : i32 to index
        %parallel_loop3A_87 = tpu.vector_load %arg9[%parallel_loop3A_86] {strides = array<i32>} : memref<8192xf32, #tpu.memory_space<vmem>>, vector<16xf32>,
        %parallel_loop3A_88 = arith.mulf %parallel_loop3A_87, %parallel_loop3A_68 : vector<16xf32>
        %parallel_loop3A_89 = arith.addf %parallel_loop3A_83, %parallel_loop3A_88 : vector<16xf32>
        %parallel_loop3A_90 = arith.constant 4096 : i32
        %parallel_loop3A_91 = arith.addi %parallel_loop3A_90, %parallel_loop3A_58 : i32
        %parallel_loop3A_92 = arith.index_cast %parallel_loop3A_91 : i32 to index
        %parallel_loop3A_93 = tpu.vector_load %arg9[%parallel_loop3A_92] {strides = array<i32>} : memref<8192xf32, #tpu.memory_space<vmem>>, vector<16xf32>,
        %parallel_loop3A_94 = arith.mulf %parallel_loop3A_93, %parallel_loop3A_73 : vector<16xf32>
        %parallel_loop3A_95 = arith.addf %parallel_loop3A_89, %parallel_loop3A_94 : vector<16xf32>
        %parallel_loop3A_96 = arith.constant 6144 : i32
        %parallel_loop3A_97 = arith.addi %parallel_loop3A_96, %parallel_loop3A_58 : i32
        %parallel_loop3A_98 = arith.index_cast %parallel_loop3A_97 : i32 to index
        %parallel_loop3A_99 = tpu.vector_load %arg9[%parallel_loop3A_98] {strides = array<i32>} : memref<8192xf32, #tpu.memory_space<vmem>>, vector<16xf32>,
        %parallel_loop3A_100 = arith.mulf %parallel_loop3A_99, %parallel_loop3A_78 : vector<16xf32>
        %parallel_loop3A_101 = arith.addf %parallel_loop3A_95, %parallel_loop3A_100 : vector<16xf32>
        %parallel_loop3A_102 = arith.constant 16 : i32
        %parallel_loop3A_103 = arith.muli %parallel_loop3A_54, %parallel_loop3A_102 : i32
        %parallel_loop3A_104 = arith.index_cast %parallel_loop3A_103 : i32 to index
        %parallel_loop3A_105 = tpu.vector_load %arg12[%parallel_loop3A_104] {strides = array<i32>} : memref<1024xf32, #tpu.memory_space<vmem>>, vector<16xf32>,
        tpu.vector_store %arg12[%parallel_loop3A_104], %parallel_loop3A_101 {strides = array<i32>} : memref<1024xf32, #tpu.memory_space<vmem>>, vector<16xf32>,
      } {sc.loop_unroll_factor = 4 : i64, sc.parallel_access}
      %lt3A_49 = arith.constant 7 : i32
      %lt3A_50 = arith.cmpi slt, %add3A_26, %lt3A_49 : i32
      %convert_element_type3A_51 = arith.extui %lt3A_50 : i1 to i32
      %cond3A_52 = arith.constant 0 : i32
      %cond3A_53 = arith.cmpi ne, %convert_element_type3A_51, %cond3A_52 : i32
      scf.if %cond3A_53 {
        %add3A_54 = arith.constant 256 : i32
        %add3A_55 = arith.addi %add3A_54, %add3A_27 : i32
        %add3A_56 = arith.constant 1 : i32
        %add3A_57 = arith.addi %add3A_55, %add3A_56 : i32
        %dma_start3A_58 = arith.constant 0 : i32
        %dma_start3A_59 = tpu.memref_slice %arg4[%add3A_57, %dma_start3A_58] : memref<512x40000xf32, #tpu.memory_space<hbm>> -> memref<1x40000xf32, #tpu.memory_space<hbm>>
        %dma_start3A_60 = tpu.memref_squeeze %dma_start3A_59 : memref<1x40000xf32, #tpu.memory_space<hbm>> -> memref<40000xf32, #tpu.memory_space<hbm>>
        %dma_start3A_61 = arith.constant 0 : i32
        %dma_start3A_62 = tpu.memref_slice %arg4[%add3A_57, %dma_start3A_61] : memref<512x40000xf32, #tpu.memory_space<hbm>> -> memref<1x40000xf32, #tpu.memory_space<hbm>>
        %dma_start3A_63 = tpu.memref_squeeze %dma_start3A_62 : memref<1x40000xf32, #tpu.memory_space<hbm>> -> memref<40000xf32, #tpu.memory_space<hbm>>
        tpu.enqueue_dma source(%dma_start3A_63 : memref<40000xf32, #tpu.memory_space<hbm>>) target(%arg11 : memref<40000xf32, #tpu.memory_space<vmem>>) target_semaphore(%arg14 : memref<!tpu.dma_semaphore, #tpu.memory_space<semaphore_mem>>)
      } else {
      }
      "tpu.region"() ({
        %run_scoped3A = tpu.sem_alloc : memref<!tpu.dma_semaphore, #tpu.memory_space<semaphore_mem>>
        %dma_start3A_54 = arith.constant 1024 : i32
        %dma_start3A_55 = tpu.memref_slice %arg5[%add3A_27, %dma_start3A_54] : memref<256x2048xf32, #tpu.memory_space<hbm>> -> memref<1x1024xf32, #tpu.memory_space<hbm>>
        %dma_start3A_56 = tpu.memref_squeeze %dma_start3A_55 : memref<1x1024xf32, #tpu.memory_space<hbm>> -> memref<1024xf32, #tpu.memory_space<hbm>>
        %dma_start3A_57 = arith.constant 1024 : i32
        %dma_start3A_58 = tpu.memref_slice %arg5[%add3A_27, %dma_start3A_57] : memref<256x2048xf32, #tpu.memory_space<hbm>> -> memref<1x1024xf32, #tpu.memory_space<hbm>>
        %dma_start3A_59 = tpu.memref_squeeze %dma_start3A_58 : memref<1x1024xf32, #tpu.memory_space<hbm>> -> memref<1024xf32, #tpu.memory_space<hbm>>
        tpu.enqueue_dma source(%arg12 : memref<1024xf32, #tpu.memory_space<vmem>>) target(%dma_start3A_59 : memref<1024xf32, #tpu.memory_space<hbm>>) target_semaphore(%run_scoped3A : memref<!tpu.dma_semaphore, #tpu.memory_space<semaphore_mem>>)
        %dma_wait3A_60 = arith.constant 1024 : i32
        %dma_wait3A_61 = tpu.memref_slice %arg5[%add3A_27, %dma_wait3A_60] : memref<256x2048xf32, #tpu.memory_space<hbm>> -> memref<1x1024xf32, #tpu.memory_space<hbm>>
        %dma_wait3A_62 = tpu.memref_squeeze %dma_wait3A_61 : memref<1x1024xf32, #tpu.memory_space<hbm>> -> memref<1024xf32, #tpu.memory_space<hbm>>
        %dma_wait3A_63 = arith.constant 1024 : i32
        %dma_wait3A_64 = tpu.memref_slice %arg5[%add3A_27, %dma_wait3A_63] : memref<256x2048xf32, #tpu.memory_space<hbm>> -> memref<1x1024xf32, #tpu.memory_space<hbm>>
        %dma_wait3A_65 = tpu.memref_squeeze %dma_wait3A_64 : memref<1x1024xf32, #tpu.memory_space<hbm>> -> memref<1024xf32, #tpu.memory_space<hbm>>
        tpu.wait_dma2 semaphore(%run_scoped3A : memref<!tpu.dma_semaphore, #tpu.memory_space<semaphore_mem>>) src(%arg12 : memref<1024xf32, #tpu.memory_space<vmem>>) dst(%dma_wait3A_65 : memref<1024xf32, #tpu.memory_space<hbm>>)
        tpu.yield
      }) : () -> ()
    }
    %scan3A_21 = arith.constant 8 : i32
    return
  }
}

module attributes {stable_mosaic.version = 14 : i64} {
  func.func @_mm_body(%arg0: memref<256x2048xf32, #tpu.memory_space<vmem>>, %arg1: memref<256x256xf32, #tpu.memory_space<vmem>>, %arg2: memref<1x256xf32, #tpu.memory_space<vmem>>, %arg3: memref<2048x256xf32, #tpu.memory_space<vmem>>, %arg4: memref<2048x256xf32, #tpu.memory_space<vmem>>) attributes {dimension_semantics = [], scalar_prefetch = 0 : i64, scratch_operands = 0 : i64, tpu.core_type = #tpu.core_type<tc>} {
    %get3A = arith.constant 0 : index
    %get3A_0 = arith.constant 0 : index
    %get3A_1 = vector.load %arg0[%get3A, %get3A_0] : memref<256x2048xf32, #tpu.memory_space<vmem>>, vector<256x2048xf32>
    %get3A_2 = arith.constant 0 : index
    %get3A_3 = arith.constant 0 : index
    %get3A_4 = vector.load %arg1[%get3A_2, %get3A_3] : memref<256x256xf32, #tpu.memory_space<vmem>>, vector<256x256xf32>
    %dot_general3A = arith.constant dense<0.000000e+00> : vector<2048x256xf32>
    %dot_general3A_5 = tpu.matmul %get3A_1, %get3A_4, %dot_general3A {dimension_numbers = #tpu.dot_dimension_numbers<[0], [1], [1], [0], [0, 1, 1, 0], [], []>, transpose_lhs_hint = false} : vector<256x2048xf32>, vector<256x256xf32>, vector<2048x256xf32> -> vector<2048x256xf32>
    %get3A_6 = arith.constant 0 : index
    %get3A_7 = arith.constant 0 : index
    %get3A_8 = vector.load %arg2[%get3A_6, %get3A_7] : memref<1x256xf32, #tpu.memory_space<vmem>>, vector<1x256xf32>
    %add3A = vector.broadcast %get3A_8 : vector<1x256xf32> to vector<2048x256xf32>
    %add3A_9 = arith.addf %dot_general3A_5, %add3A : vector<2048x256xf32>
    %get3A_10 = arith.constant 0 : index
    %get3A_11 = arith.constant 0 : index
    %get3A_12 = vector.load %arg3[%get3A_10, %get3A_11] : memref<2048x256xf32, #tpu.memory_space<vmem>>, vector<2048x256xf32>
    %add3A_13 = arith.addf %add3A_9, %get3A_12 : vector<2048x256xf32>
    %swap3A = arith.constant 0 : index
    %swap3A_14 = arith.constant 0 : index
    %swap3A_15 = vector.load %arg4[%swap3A, %swap3A_14] : memref<2048x256xf32, #tpu.memory_space<vmem>>, vector<2048x256xf32>
    tpu.vector_store %arg4[%swap3A, %swap3A_14], %add3A_13 {strides = array<i32>} : memref<2048x256xf32, #tpu.memory_space<vmem>>, vector<2048x256xf32>,
    return
  }
}

</mosaic_0001>

<sc_bundles>
// kernel: kernel.4.cloned.1.call-start
scs
__scs_entry_jumppad:
0x0: {  	(pc) =	sbr.rel $0x88, $3  }
0x1: {  	(tag) =	ssettag $0x0;
	lr =	simm.s32 $0x1  }
0x2: {  	[smem:$0x3F9C] =	sst lr;
	_ =	strace $0xD0000000  }
0x3: {  	_ = 	snop  }
0x4: {  	_ = 	snop  }
0x5: {  	_ = 	snop  }
0x6: {  	_ = 	snop  }
0x7: {  	_ = 	snop  }
__scs_overlays_trampoline_lowered:
0x8: {  	[smem:$0x3FAB] =	sst s0  }
0x9: {  	[smem:$0x3FAC] =	sst s1  }
0xa: {  	[smem:$0x3FAD] =	sst s2  }
0xb: {  	[smem:$0x3FAE] =	sst s3  }
0xc: {  	[smem:$0x3FAF] =	sst s4  }
0xd: {  	[smem:$0x3FB0] =	sst s5  }
0xe: {  	[smem:$0x3FB1] =	sst s6  }
0xf: {  	[smem:$0x3FB2] =	sst s7  }
0x10: {  	[smem:$0x3FB3] =	sst s8  }
0x11: {  	[smem:$0x3FB4] =	sst s9;
	s0 =	simm.s32 @!p0 $0x0  }
0x12: {  	s1 =	sld [smem:$0x3F9A];
	s0 =	simm.s32 @p0 $0x1  }
0x13: {  	[smem:$0x3FB5] =	sst s0;
	s0 =	simm.s32 @!p1 $0x0  }
0x14: {  	s2 =	sld [smem:$0x3F99];
	s0 =	simm.s32 @p1 $0x1  }
0x15: {  	[smem:$0x3FB6] =	sst s0;
	s0 =	simm.s32 @!p2 $0x0  }
0x16: {  	s3 =	sld [smem:$0x3FDB];
	s0 =	simm.s32 @p2 $0x1  }
0x17: {  	s4 =	simm.s32 $0x1BF5;
	[smem:$0x3FB8] =	sst s0  }
0x18: {  	s0 =	sld [smem:$0x3F9B];
	_ =	swait.ge [sflag:s4], $0x0  }
0x19: {  	s7 =	sld [smem:$0x3F9C]  }
0x1a: {  	s8 =	sadd.s32 $0xFFFFE003, lr  }
0x1b: {  	s9 =	sadd.s32 $0xFFFFFEF7, lr;
	s5 =	simm.s32 $0xFFFFFFFF;
	p2 =	slt.u32 s8, $0xFFFFF086  }
0x1c: {  	p1 =	slt.u32 s9, $0xF7A;
	s5 =	simm.s32 @!p2 $0x0  }
0x1d: {  	s5 =	simm.s32 @p1 $0x1;
	p0 =	seq.s32 s7, s2  }
0x1e: {  	s7 =	smul.u32 @!p0 $0xF7A, s2;
	p2 =	seq.s32 @!p0 s5, $0x0  }
0x1f: {  	s9 =	smul.u32 $0xF7A, s1;
	s8 =	simm.s32 @!p0 $0x1BF5;
	p2 =	por !p2, p0  }
0x20: {  	[sflag:s8] =	ssyncset.s32 @!p0 $0xFFFFF086;
	s6 =	sadd.s32 @!p0 s3, s7;
	s7 =	simm.s32 @!p0 $0x108  }
0x21: {  	s3 =	sadd.s32 s3, s9;
	s6 =	sadd.s32 @!p0 $0x88, s6;
	s7 =	simm.s32 @p2 $0x1082  }
0x22: {  	[simem:s7], [sflag:s8] =	dma.local @!p0 [hbm:s6], $0xF7A  }
0x23: {  	s9 =	sor.u32 $0xD0000000, s2;
	s6 =	simm.s32 $0x108;
	_ =	swait.ge @!p0 [sflag:s8], $0x0  }
0x24: {  	s3 =	sadd.s32 $0x88, s3;
	s6 =	simm.s32 @!p1 $0x1082;
	[sflag:s4] =	ssyncset.s32 $0xFFFFF086  }
0x25: {  	[simem:s6], [sflag:s4] =	dma.local [hbm:s3], $0xF7A  }
0x26: {  	[smem:$0x3F9C] =	sst s1;
	(tag) =	ssettag s2;
	_ =	strace s9  }
0x27: {  	s1 =	sld [smem:$0x3FAC]  }
0x28: {  	s2 =	sld [smem:$0x3FAD]  }
0x29: {  	s4 =	sld [smem:$0x3FAF]  }
0x2a: {  	p0 =	seq.s32 s5, $0x0;
	s5 =	sld [smem:$0x3FB0]  }
0x2b: {  	s6 =	sld [smem:$0x3FB1]  }
0x2c: {  	s7 =	sld [smem:$0x3FB2]  }
0x2d: {  	s3 =	simm.s32 $0x108;
	s8 =	sld [smem:$0x3FB3]  }
0x2e: {  	s3 =	simm.s32 @!p0 $0x1082;
	s9 =	sld [smem:$0x3FB4]  }
0x2f: {  	lr =	sadd.s32 s0, s3;
	s0 =	sld [smem:$0x3FAB]  }
0x30: {  	s3 =	sld [smem:$0x3FAE]  }
0x31: {  	[smem:$0x3FB7] =	sst s10  }
0x32: {  	s10 =	sld [smem:$0x3FB5];
	_ =	sdelay $0x3  }
0x33: {  	p0 =	seq.s32 s10, $0x1;
	s10 =	sld [smem:$0x3FB7];
	_ =	sdelay $0x3  }
0x34: {  	[smem:$0x3FB7] =	sst s10  }
0x35: {  	s10 =	sld [smem:$0x3FB6];
	_ =	sdelay $0x3  }
0x36: {  	p1 =	seq.s32 s10, $0x1;
	s10 =	sld [smem:$0x3FB7];
	_ =	sdelay $0x3  }
0x37: {  	[smem:$0x3FB7] =	sst s10  }
0x38: {  	s10 =	sld [smem:$0x3FB8]  }
0x39: {  	_ = 	snop;
	(pc) =	sbr.ind lr, $3  }
0x3a: {  	_ = 	snop  }
0x3b: {  	_ = 	snop  }
0x3c: {  	p2 =	seq.s32 s10, $0x1;
	s10 =	sld [smem:$0x3FB7]  }
0x3d: {  	_ =	shalt  }
0x3e: {  	_ =	shalt  }
0x3f: {  	_ =	shalt  }
0x40: {  	_ =	shalt  }
0x41: {  	_ =	shalt  }
0x42: {  	_ =	shalt  }
0x43: {  	_ =	shalt  }
0x44: {  	_ =	shalt  }
0x45: {  	_ =	shalt  }
0x46: {  	_ =	shalt  }
0x47: {  	_ =	shalt  }
0x48: {  	_ =	shalt  }
0x49: {  	_ =	shalt  }
0x4a: {  	_ =	shalt  }
0x4b: {  	_ =	shalt  }
0x4c: {  	_ =	shalt  }
0x4d: {  	_ =	shalt  }
0x4e: {  	_ =	shalt  }
0x4f: {  	_ =	shalt  }
0x50: {  	_ =	shalt  }
0x51: {  	_ =	shalt  }
0x52: {  	_ =	shalt  }
0x53: {  	_ =	shalt  }
0x54: {  	_ =	shalt  }
0x55: {  	_ =	shalt  }
0x56: {  	_ =	shalt  }
0x57: {  	_ =	shalt  }
0x58: {  	_ =	shalt  }
0x59: {  	_ =	shalt  }
0x5a: {  	_ =	shalt  }
0x5b: {  	_ =	shalt  }
0x5c: {  	_ =	shalt  }
0x5d: {  	_ =	shalt  }
0x5e: {  	_ =	shalt  }
0x5f: {  	_ =	shalt  }
0x60: {  	_ =	shalt  }
0x61: {  	_ =	shalt  }
0x62: {  	_ =	shalt  }
0x63: {  	_ =	shalt  }
0x64: {  	_ =	shalt  }
0x65: {  	_ =	shalt  }
0x66: {  	_ =	shalt  }
0x67: {  	_ =	shalt  }
0x68: {  	_ =	shalt  }
0x69: {  	_ =	shalt  }
0x6a: {  	_ =	shalt  }
0x6b: {  	_ =	shalt  }
0x6c: {  	_ =	shalt  }
0x6d: {  	_ =	shalt  }
0x6e: {  	_ =	shalt  }
0x6f: {  	_ =	shalt  }
0x70: {  	_ =	shalt  }
0x71: {  	_ =	shalt  }
0x72: {  	_ =	shalt  }
0x73: {  	_ =	shalt  }
0x74: {  	_ =	shalt  }
0x75: {  	_ =	shalt  }
0x76: {  	_ =	shalt  }
0x77: {  	_ =	shalt  }
0x78: {  	_ =	shalt  }
0x79: {  	_ =	shalt  }
0x7a: {  	_ =	shalt  }
0x7b: {  	_ =	shalt  }
0x7c: {  	_ =	shalt  }
0x7d: {  	_ =	shalt  }
0x7e: {  	_ =	shalt  }
0x7f: {  	_ =	shalt  }
0x80: {  	_ =	shalt  }
0x81: {  	_ =	shalt  }
0x82: {  	_ =	shalt  }
0x83: {  	_ =	shalt  }
0x84: {  	_ =	shalt  }
0x85: {  	_ =	shalt  }
0x86: {  	_ =	shalt  }
0x87: {  	_ =	shalt  }
.Lfunc_end0:
.L_simem_size_0:
called_computation.1_lowered:
.L_overlay_start_0:
0x88: {  	s2 =	sld [smem:$0x3FD9]  }
0x89: {  	s3 =	sld [smem:$0x3FFE];
	_ =	sdelay $0x1  }
0x8a: {  	s1 =	srdreg.scid  }
0x8b: {  	s0 =	sand.u32 $0x1, s1  }
0x8c: {  	s17 =	sshll.u32 s0, $0xA;
	s2 =	sadd.s32 s3, s2  }
0x8d: {  	s2 =	sadd.s32 s2, s17  }
0x8e: {  	[smem:$0x3FC3] =	sst s2  }
0x8f: {  	_ = 	snop  }
0x90: {  	s2 =	sld [smem:$0x3FD0];
	(tm) =	ssettm $0x1  }
0x91: {  	s18 =	sld [smem:$0x3FFB];
	_ =	sdelay $0x3  }
0x92: {  	_ =	strace s18  }
0x93: {  	s3 =	sld [smem:$0x3FFC];
	_ =	sdelay $0x3  }
0x94: {  	_ =	strace s3  }
0x95: {  	s3 =	sld [smem:$0x3FFD];
	_ =	sdelay $0x3  }
0x96: {  	_ =	strace s3  }
0x97: {  	_ =	strace $0x8FFFFFFF  }
0x98: {  	s19 =	sld [smem:$0x3FDB];
	_ =	sdelay $0x1  }
0x99: {  	s4 =	simm.s32 $_scs_section_size  }
0x9a: {  	s5 =	simm.s32 $_size__tile_overlayer_lowered;
	s6 =	simm.s32 $_tile_overlayer_lowered  }
0x9b: {  	s22 =	simm.s32 $0x1BFF;
	s21 =	sshll.u32 s6, $0x1;
	s3 =	sadd.s32 s4, s19  }
0x9c: {  	s7 =	simm.s32 $0x0;
	s20 =	sshll.u32 s5, $0x1;
	s5 =	sadd.s32 s21, s3  }
0x9d: {  	[timem:s7], [sflag:s22] =	dma.local [hbm:s5], s20  }
0x9e: {  	_ =	swait.ge [sflag:s22], s20  }
0x9f: {  	s4 =	ssub.s32 $0x0, s20;
	[sflag:s22] =	ssyncset.done $0x0  }
0xa0: {  	[sflag:s22] =	ssyncadd.s32 s4;
	_ =	sdelay $0x1  }
0xa1: {  	s23 =	simm.s32 $0x1B8B  }
0xa2: {  	_ =	swait.ge [sflag:s23], $0x1  }
0xa3: {  	[sflag:s23] =	ssyncset.done $0x0  }
0xa4: {  	s25 =	simm.s32 $0x1B8E;
	s24 =	sld [smem:$0x3FFE];
	[sflag:s23] =	ssyncadd.s32 $0xFFFFFFFF  }
0xa5: {  	s26 =	simm.s32 $execute0_lowered;
	[smem:$0x3FD2] =	sst s25  }
0xa6: {  	s5 =	sshll.u32 s26, $0x1;
	_ =	strace $0x80000049;
	[dreg:$0x1] =	wrdreg $0xFFFFFFFF  }
0xa7: {  	s28 =	simm.s32 $_size_execute0_lowered;
	s3 =	sadd.s32 s3, s5;
	[dreg:$0x0] =	wrdreg $0x0  }
0xa8: {  	s5 =	sshll.u32 s28, $0x1;
	[dreg:$0x2] =	wrdreg s3  }
0xa9: {  	[dreg:$0x3] =	wrdreg s5  }
0xaa: {  	[dreg:$0x4] =	wrdreg $0xC0  }
0xab: {  	_ =	task [dreg:s7], $0x5FFFF  }
0xac: {  	[dreg:$0x1] =	wrdreg $0xFFFFFFFF  }
0xad: {  	[dreg:$0x0] =	wrdreg $0x60  }
0xae: {  	[dreg:$0x2] =	wrdreg s2  }
0xaf: {  	[dreg:$0x3] =	wrdreg s24  }
0xb0: {  	[dreg:$0x4] =	wrdreg $0x9  }
0xb1: {  	_ =	task.clear_ibuf [dreg:s7], $0x5FFFF;
	_ =	strace $0x90000049  }
0xb2: {  	s29 =	simm.s32 $0x9;
	_ =	strace $0x8000004B  }
0xb3: {  	_ =	swait.ge [sflag:s29], $0x1  }
0xb4: {  	[sflag:s29] =	ssyncadd.s32 $0xFFFFFFFF  }
0xb5: {  	_ =	strace $0x9000004B  }
0xb6: {  	_ =	sfence  }
0xb7: {  	s30 =	sld [smem:$0x0];
	_ =	sdelay $0x2  }
0xb8: {  	s31 =	sshll.u32 s1, $0xD;
	s1 =	sshrl.u32 s1, $0x2  }
0xb9: {  	s3 =	sand.u32 $0x4000, s31;
	s1 =	sadd.s32 s1, s30  }
0xba: {  	s0 =	sor.u32 s3, s0;
	s1 =	sshll.u32 s1, $0x11  }
0xbb: {  	s0 =	sor.u32 s1, s0  }
0xbc: {  	s0 =	sadd.s32 $0x8F2B, s0  }
0xbd: {  	[sflag:s0] =	ssyncadd.remote.s32 $0x1  }
0xbe: {  	_ =	sfence.sel $0xFFFF  }
0xbf: {  	[dreg:$0x0] =	wrdreg $0xFFFFFFFF;
	(pc) =	sbr.abs _section_cstart, $3  }
0xc0: {  	[dreg:$0x1] =	wrdreg $0xFFFFFFFF  }
0xc1: {  	_ =	task.clear_ibuf [dreg:s7], $0x2FFFF;
	_ =	strace $0x9FFFFFFF  }
0xc2: {  	(tm) =	ssettm $0x7FFFFFFF  }
0xc3: {  	_ =	shalt  }
tec
execute0_lowered:
.L_overlay_start_1:
0x0: {  	(tag) =	ssettag $0x1  }
0x1: {  	s1 =	rddreg [dreg:$0x0]  }
0x2: {  	s11 =	rddreg [dreg:$0x1];
	s3 =	simm.s32 $0x0  }
0x3: {  	[smem:$0x7FF] =	sst s3  }
0x4: {  	s0 =	rddreg [dreg:$0x2];
	v0 =	vimm.f32 $8.000000000e+01;
	_ =	strace $0x8000004A  }
0x5: {  	(erf) = vrcp.f32 v0;
	v0 =	vimm.f32 $2.000000000e+02  }
0x6: {  	s4 =	srdreg.scid;
	s2 =	stileid.u32;
	(erf) = vrcp.f32 v0  }
0x7: {  	s13 =	simm.s32 $0x80;
	s14 =	simm.s32 $0x400;
	s15 =	simm.s32 $0x5000  }
0x8: {  	s16 =	simm.s32 $0xEC80;
	s17 =	simm.s32 $0x3;
	s7 =	sand.u32 $0x1, s4  }
0x9: {  	s18 =	simm.s32 $0x800;
	s31 =	sshll.u32 s2, $0x4;
	s5 =	sshll.u32 s7, $0x3  }
0xa: {  	s19 =	simm.s32 $0x1;
	s20 =	simm.s32 $0x18900;
	s4 =	sor.u32 s5, s31  }
0xb: {  	s21 =	simm.s32 $0x2;
	s9 =	ssub.s32 $0x2, s7;
	s5 =	sshrl.u32 s4, $0x3  }
0xc: {  	s22 =	simm.s32 $0x0;
	s10 =	sshrl.u32 s9, $0x1;
	s8 =	smul.u32 $0x9C80, s5  }
0xd: {  	s6 =	sadd.s32 $0x321600, s11;
	s7 =	sadd.s32 $0x1400, s11;
	s12 =	ssub.s32 s9, s10  }
0xe: {  	s10 =	sshll.u32 s4, $0x8;
	s5 =	sadd.s32 $0x321400, s11;
	s8 =	sadd.s32 s6, s8;
	v0 =	vpop (erf)  }
0xf: {  	v2 =	vimm.s32 $0x0;
	s11 =	sadd.s32 $0x1800, s11;
	s12 =	smax.u32 s12, $0x1;
	s9 =	sadd.s32 $0x139000, s8;
	v1 =	vpop (erf)  }
.LBB2_1:
0x10: {  	[tilespmem:s15], [sflag:$0x1] =	stream.strided.gather [hbm4b:s8+s13], $0x9C80, s14, s13, $0x38;
	[tilespmem:$0x18D00] =	vst v63  }
0x11: {  	_ = 	snop  }
0x12: {  	[tilespmem:s16], [sflag:$0x2] =	stream.strided.gather [hbm4b:s9+s13], $0x9C80, s14, s13, $0x38;
	[tilespmem:$0x18D00] =	vst v63  }
0x13: {  	_ = 	snop  }
0x14: {  	[tilespmem:s3], [sflag:$0x3] =	stream.linear.gather [hbm4b:s1+s3], $0x800, $0x38;
	[tilespmem:$0x18D00] =	vst v63  }
0x15: {  	_ =	swait.ge [sflag:s17], $0x800  }
0x16: {  	[sflag:s17] =	ssyncset.done $0x0  }
0x17: {  	[sflag:s17] =	ssyncadd.s32 $0xFFFFF800  }
0x18: {  	[tilespmem:s18], [sflag:$0x3] =	stream.linear.gather [hbm4b:s5+s3], $0x800, $0x38;
	[tilespmem:$0x18D00] =	vst v63  }
0x19: {  	_ =	swait.ge [sflag:s17], $0x800  }
0x1a: {  	[sflag:s17] =	ssyncset.done $0x0  }
0x1b: {  	s23 =	simm.s32 $0x810;
	[sflag:s17] =	ssyncadd.s32 $0xFFFFF800  }
0x1c: {  	s24 =	simm.s32 $0x10;
	v3 =	vld [tilespmem:s23+$0x0]  }
0x1d: {  	v4 =	vld [tilespmem:s24+$0x0];
	_ =	sdelay $0x1  }
0x1e: {  	v5 =	vld [tilespmem:s23+$0xFFFFFFF0]  }
0x1f: {  	v6 =	vld [tilespmem:s24+$0xFFFFFFF0]  }
0x20: {  	v3 =	vadd.f32 $4.000000000e+01, v3  }
0x21: {  	v4 =	vadd.f32 $8.000000000e+01, v4  }
0x22: {  	v3 =	vmul.f32 v3, v0  }
0x23: {  	v5 =	vadd.f32 $4.000000000e+01, v5;
	v4 =	vmul.f32 v4, v1  }
0x24: {  	v6 =	vadd.f32 $8.000000000e+01, v6;
	v3 =	vadd.f32 v3, v3  }
0x25: {  	v5 =	vmul.f32 v5, v0;
	v4 =	vadd.f32 v4, v4  }
0x26: {  	v6 =	vmul.f32 v6, v1;
	v3 =	vadd.f32 $-1.000000000e+00, v3  }
0x27: {  	v5 =	vadd.f32 v5, v5;
	v4 =	vadd.f32 $-1.000000000e+00, v4  }
0x28: {  	v6 =	vadd.f32 v6, v6;
	v3 =	vadd.f32 $1.000000000e+00, v3  }
0x29: {  	v5 =	vadd.f32 $-1.000000000e+00, v5;
	v4 =	vadd.f32 $1.000000000e+00, v4  }
0x2a: {  	v6 =	vadd.f32 $-1.000000000e+00, v6;
	v3 =	vmul.f32 $5.000000000e-01, v3  }
0x2b: {  	v5 =	vadd.f32 $1.000000000e+00, v5;
	v4 =	vmul.f32 $5.000000000e-01, v4  }
0x2c: {  	v6 =	vadd.f32 $1.000000000e+00, v6;
	v3 =	vmul.f32 $1.990000000e+02, v3  }
0x2d: {  	v5 =	vmul.f32 $5.000000000e-01, v5;
	v4 =	vmul.f32 $1.990000000e+02, v4  }
0x2e: {  	v6 =	vmul.f32 $5.000000000e-01, v6;
	v3 =	vmax.f32 v3, $-4.000000000e+00  }
0x2f: {  	v5 =	vmul.f32 $1.990000000e+02, v5;
	v7 =	vmin.f32 v3, $2.040000000e+02;
	v3 =	vmax.f32 v4, $-4.000000000e+00  }
0x30: {  	v4 =	vmul.f32 $1.990000000e+02, v6;
	v6 =	vmin.f32 v3, $2.040000000e+02;
	v3 =	vtrunc.f32 v7  }
0x31: {  	v5 =	vmax.f32 v5, $-4.000000000e+00;
	v8 =	vcvt.f32.s32 v3;
	v9 =	vtrunc.f32 v6  }
0x32: {  	vm0 =	vlt.f32 v7, v3;
	v10 =	vcvt.f32.s32 v9;
	vm1 =	vlt.f32 v6, v9  }
0x33: {  	v4 =	vmax.f32 v4, $-4.000000000e+00;
	v3 =	vsel vm0, $0xFFFFFFFF, v2;
	v9 =	vsel vm1, $0xFFFFFFFF, v2  }
0x34: {  	v8 =	vadd.s32 v8, v3;
	v3 =	vmin.f32 v5, $2.040000000e+02;
	v5 =	vadd.s32 v10, v9  }
0x35: {  	vm3 =	vlt.u32 v8, $0xC8;
	v9 =	vadd.s32 $0x1, v8;
	vm4 =	vgt.s32 v8, $0x0  }
0x36: {  	v10 =	vcvt.s32.f32 v8;
	vm1 =	vlt.u32 v5, $0xC8;
	v11 =	vcvt.s32.f32 v5  }
0x37: {  	vm5 =	vgt.s32 v5, $0x0;
	vm0 =	vlt.u32 v9, $0xC8;
	v12 =	vadd.s32 $0x1, v5  }
0x38: {  	v8 =	vnsel vm4, $0x0, v8;
	vm15 =	vgt.s32 v9, $0x0;
	vm6 =	vmand vm1, vm3  }
0x39: {  	v13 =	vadd.f32 $1.000000000e+00, v10;
	vm2 =	vlt.u32 v12, $0xC8;
	v5 =	vnsel vm5, $0x0, v5  }
0x3a: {  	vm14 =	vgt.s32 v12, $0x0;
	v8 =	vmin.u32 v8, $0xC7;
	v9 =	vnsel vm15, $0x0, v9  }
0x3b: {  	vm1 =	vmand vm1, vm0;
	v14 =	vadd.f32 $1.000000000e+00, v11;
	v5 =	vmin.u32 v5, $0xC7  }
0x3c: {  	v12 =	vnsel vm14, $0x0, v12;
	vm3 =	vmand vm2, vm3;
	vm0 =	vmand vm2, vm0  }
0x3d: {  	v13 =	vsub.f32 v13, v7;
	v5 =	vmul.u32 $0xC8, v5;
	v14 =	vsub.f32 v14, v6  }
0x3e: {  	v7 =	vsub.f32 v7, v10;
	v6 =	vsub.f32 v6, v11;
	v11 =	vmin.u32 v12, $0xC7  }
0x3f: {  	v11 =	vmul.u32 $0xC8, v11;
	v15 =	vadd.s32 v8, v5;
	v12 =	vmul.f32 v13, v14  }
0x40: {  	v10 =	vmul.f32 v13, v6;
	v13 =	vmin.u32 v9, $0xC7;
	v14 =	vmul.f32 v14, v7  }
0x41: {  	v9 =	vmin.f32 v4, $2.040000000e+02;
	v6 =	vmul.f32 v7, v6;
	v8 =	vadd.s32 v8, v11  }
0x42: {  	s25 =	simm.s32 $0x2000;
	v4 =	vadd.s32 v5, v13;
	v5 =	vtrunc.f32 v3;
	v13 =	vadd.s32 v13, v11  }
0x43: {  	s26 =	simm.s32 $0x4000;
	[tilespmem:s25+$0xFFFFF010] =	vst v15;
	v12 =	vnsel vm6, $0x0, v12;
	v10 =	vnsel vm3, $0x0, v10;
	v7 =	vnsel vm1, $0x0, v14  }
0x44: {  	v14 =	vtrunc.f32 v9;
	v11 =	vcvt.f32.s32 v5;
	vm1 =	vlt.f32 v3, v5;
	[tilespmem:s26+$0xFFFFF010] =	vst v12  }
0x45: {  	v5 =	vsel vm1, $0xFFFFFFFF, v2;
	vm1 =	vlt.f32 v9, v14;
	[tilespmem:s25+$0xFFFFF810] =	vst v8;
	v8 =	vcvt.f32.s32 v14  }
0x46: {  	v14 =	vnsel vm0, $0x0, v6;
	[tilespmem:s26+$0xFFFFF810] =	vst v10;
	v10 =	vadd.s32 v11, v5;
	v5 =	vsel vm1, $0xFFFFFFFF, v2  }
0x47: {  	[tilespmem:s25+$0x10] =	vst v4;
	v4 =	vcvt.s32.f32 v10;
	v11 =	vadd.s32 v8, v5;
	v5 =	vadd.s32 $0x1, v10  }
0x48: {  	[tilespmem:s26+$0x10] =	vst v7;
	v7 =	vcvt.s32.f32 v11;
	v12 =	vadd.s32 $0x1, v11;
	vm0 =	vgt.s32 v11, $0x0  }
0x49: {  	s30 =	simm.s32 $0x0;
	[tilespmem:s25+$0x810] =	vst v13;
	v6 =	vsub.f32 v3, v4;
	v4 =	vadd.f32 $1.000000000e+00, v4;
	vm1 =	vgt.s32 v12, $0x0  }
0x4a: {  	s31 =	simm.s32 $0x830;
	s28 =	simm.s32 $0x2000;
	s29 =	simm.s32 $0x4000;
	[tilespmem:s26+$0x810] =	vst v14;
	v8 =	vsub.f32 v9, v7;
	v13 =	vadd.f32 $1.000000000e+00, v7;
	v14 =	vnsel vm1, $0x0, v12  }
.LBB2_2:
0x4b: {  	v7 =	vld [tilespmem:s31+$0x0];
	v3 =	vsub.f32 v4, v3;
	v4 =	vnsel vm0, $0x0, v11;
	v14 =	vmin.u32 v14, $0xC7;
	s24 =	sadd.s32 $0x20, s24  }
0x4c: {  	vm0 =	vgt.s32 v5, $0x0;
	v15 =	vld [tilespmem:s24+$0x0];
	v9 =	vsub.f32 v13, v9;
	v4 =	vmin.u32 v4, $0xC7  }
0x4d: {  	vm1 =	vgt.s32 v10, $0x0;
	v14 =	vmul.u32 $0xC8, v14;
	v13 =	vld [tilespmem:s31+$0xFFFFFFF0];
	v16 =	vmul.f32 v3, v8  }
0x4e: {  	v4 =	vmul.u32 $0xC8, v4;
	v17 =	vld [tilespmem:s24+$0xFFFFFFF0];
	v3 =	vmul.f32 v3, v9;
	v9 =	vmul.f32 v9, v6  }
0x4f: {  	vm2 =	vlt.u32 v5, $0xC8;
	v5 =	vnsel vm0, $0x0, v5;
	v18 =	vmul.f32 v6, v8  }
0x50: {  	vm0 =	vlt.u32 v12, $0xC8;
	v6 =	vadd.f32 $4.000000000e+01, v7;
	v7 =	vnsel vm1, $0x0, v10  }
0x51: {  	vm3 =	vlt.u32 v11, $0xC8;
	vm1 =	vlt.u32 v10, $0xC8;
	v8 =	vadd.f32 $8.000000000e+01, v15  }
0x52: {  	v5 =	vmin.u32 v5, $0xC7;
	v10 =	vadd.f32 $4.000000000e+01, v13;
	v6 =	vmul.f32 v6, v0  }
0x53: {  	s30 =	sadd.s32 $0x2, s30;
	v12 =	vmin.u32 v7, $0xC7;
	v11 =	vadd.f32 $8.000000000e+01, v17;
	v8 =	vmul.f32 v8, v1  }
0x54: {  	p0 =	slt.u32 s30, $0x7E;
	vm4 =	vmand vm0, vm1;
	v7 =	vmul.f32 v10, v0;
	v6 =	vadd.f32 v6, v6  }
0x55: {  	vm5 =	vmand vm3, vm2;
	v10 =	vmul.f32 v11, v1;
	v8 =	vadd.f32 v8, v8  }
0x56: {  	vm0 =	vmand vm0, vm2;
	v7 =	vadd.f32 v7, v7;
	v6 =	vadd.f32 $-1.000000000e+00, v6  }
0x57: {  	vm1 =	vmand vm3, vm1;
	v10 =	vadd.f32 v10, v10;
	v8 =	vadd.f32 $-1.000000000e+00, v8  }
0x58: {  	v3 =	vnsel vm1, $0x0, v3;
	v7 =	vadd.f32 $-1.000000000e+00, v7;
	v6 =	vadd.f32 $1.000000000e+00, v6  }
0x59: {  	v11 =	vnsel vm4, $0x0, v16;
	v10 =	vadd.f32 $-1.000000000e+00, v10;
	v8 =	vadd.f32 $1.000000000e+00, v8  }
0x5a: {  	v7 =	vadd.f32 $1.000000000e+00, v7;
	v13 =	vmul.f32 $5.000000000e-01, v6;
	v6 =	vnsel vm5, $0x0, v9  }
0x5b: {  	v15 =	vadd.s32 v12, v14;
	v9 =	vadd.f32 $1.000000000e+00, v10;
	v10 =	vmul.f32 $5.000000000e-01, v8  }
0x5c: {  	v8 =	vadd.s32 v5, v14;
	v16 =	vmul.f32 $5.000000000e-01, v7;
	v13 =	vmul.f32 $1.990000000e+02, v13  }
0x5d: {  	v7 =	vnsel vm0, $0x0, v18;
	v9 =	vmul.f32 $5.000000000e-01, v9;
	v10 =	vmul.f32 $1.990000000e+02, v10  }
0x5e: {  	v12 =	vadd.s32 v12, v4;
	v14 =	vmul.f32 $1.990000000e+02, v16;
	v13 =	vmax.f32 v13, $-4.000000000e+00  }
0x5f: {  	v9 =	vmul.f32 $1.990000000e+02, v9;
	v13 =	vmin.f32 v13, $2.040000000e+02;
	v10 =	vmax.f32 v10, $-4.000000000e+00;
	[tilespmem:s25+$0xFFFFF000] =	vst v12  }
0x60: {  	v12 =	vmax.f32 v14, $-4.000000000e+00;
	v10 =	vmin.f32 v10, $2.040000000e+02;
	v14 =	vtrunc.f32 v13;
	[tilespmem:s26+$0xFFFFF000] =	vst v3  }
0x61: {  	v3 =	vcvt.f32.s32 v14;
	vm0 =	vlt.f32 v13, v14;
	v14 =	vtrunc.f32 v10;
	[tilespmem:s25+$0xFFFFF800] =	vst v15  }
0x62: {  	v15 =	vsel vm0, $0xFFFFFFFF, v2;
	v16 =	vcvt.f32.s32 v14;
	vm0 =	vlt.f32 v10, v14;
	[tilespmem:s26+$0xFFFFF800] =	vst v11  }
0x63: {  	v9 =	vmax.f32 v9, $-4.000000000e+00;
	v11 =	vadd.s32 v3, v15;
	v14 =	vsel vm0, $0xFFFFFFFF, v2  }
0x64: {  	v3 =	vmin.f32 v12, $2.040000000e+02;
	v12 =	vadd.s32 v16, v14;
	vm3 =	vlt.u32 v11, $0xC8  }
0x65: {  	v14 =	vadd.s32 $0x1, v11;
	vm4 =	vgt.s32 v11, $0x0;
	vm1 =	vlt.u32 v12, $0xC8  }
0x66: {  	v15 =	vcvt.s32.f32 v11;
	v16 =	vcvt.s32.f32 v12;
	vm5 =	vgt.s32 v12, $0x0  }
0x67: {  	vm0 =	vlt.u32 v14, $0xC8;
	v17 =	vadd.s32 $0x1, v12;
	vm6 =	vmand vm1, vm3  }
0x68: {  	v18 =	vadd.f32 $1.000000000e+00, v15;
	vm2 =	vlt.u32 v17, $0xC8;
	v19 =	vadd.f32 $1.000000000e+00, v16  }
0x69: {  	v11 =	vnsel vm4, $0x0, v11;
	v12 =	vnsel vm5, $0x0, v12;
	vm4 =	vgt.s32 v17, $0x0  }
0x6a: {  	v12 =	vmin.u32 v12, $0xC7;
	v18 =	vsub.f32 v18, v13;
	v19 =	vsub.f32 v19, v10  }
0x6b: {  	v11 =	vmin.u32 v11, $0xC7;
	v17 =	vnsel vm4, $0x0, v17;
	v12 =	vmul.u32 $0xC8, v12  }
0x6c: {  	v10 =	vsub.f32 v10, v16;
	v16 =	vmin.u32 v17, $0xC7;
	v17 =	vmul.f32 v18, v19  }
0x6d: {  	s25 =	sadd.s32 $0x20, s25;
	vm4 =	vgt.s32 v14, $0x0;
	v16 =	vmul.u32 $0xC8, v16;
	v20 =	vadd.s32 v11, v12  }
0x6e: {  	s26 =	sadd.s32 $0x20, s26;
	v13 =	vsub.f32 v13, v15;
	v15 =	vmul.f32 v18, v10;
	v17 =	vnsel vm6, $0x0, v17;
	[tilespmem:s25+$0xFFFFF010] =	vst v20  }
0x6f: {  	vm3 =	vmand vm2, vm3;
	v14 =	vnsel vm4, $0x0, v14;
	v11 =	vadd.s32 v11, v16;
	[tilespmem:s26+$0xFFFFF010] =	vst v17  }
0x70: {  	v14 =	vmin.u32 v14, $0xC7;
	v17 =	vmul.f32 v19, v13;
	[tilespmem:s25+$0xFFFFF810] =	vst v11;
	v11 =	vnsel vm3, $0x0, v15  }
0x71: {  	v9 =	vmin.f32 v9, $2.040000000e+02;
	vm1 =	vmand vm1, vm0;
	v12 =	vadd.s32 v12, v14;
	[tilespmem:s26+$0xFFFFF810] =	vst v11  }
0x72: {  	v10 =	vmul.f32 v13, v10;
	v11 =	vtrunc.f32 v3;
	[tilespmem:s25+$0x10] =	vst v12;
	v12 =	vnsel vm1, $0x0, v17  }
0x73: {  	vm0 =	vmand vm2, vm0;
	v14 =	vadd.s32 v14, v16;
	v13 =	vtrunc.f32 v9;
	[tilespmem:s26+$0x10] =	vst v12  }
0x74: {  	v10 =	vnsel vm0, $0x0, v10;
	vm1 =	vlt.f32 v3, v11;
	v12 =	vcvt.f32.s32 v11;
	[tilespmem:s25+$0x810] =	vst v14  }
0x75: {  	s23 =	simm.s32 $0x0;
	vm0 =	vlt.f32 v9, v13;
	v11 =	vsel vm1, $0xFFFFFFFF, v2;
	v14 =	vcvt.f32.s32 v13;
	[tilespmem:s26+$0x810] =	vst v10  }
.Ltmp0:
0x76: {  	v4 =	vadd.s32 v4, v5;
	v10 =	vadd.s32 v12, v11;
	v11 =	vsel vm0, $0xFFFFFFFF, v2;
	(pc) =	sbr.rel @p0 .LBB2_2-.Ltmp0, $4  }
0x77: {  	v13 =	vcvt.s32.f32 v10;
	v11 =	vadd.s32 v14, v11;
	v5 =	vadd.s32 $0x1, v10;
	[tilespmem:s28+$0x0] =	vst v4  }
0x78: {  	v14 =	vcvt.s32.f32 v11;
	v12 =	vadd.s32 $0x1, v11;
	vm0 =	vgt.s32 v11, $0x0;
	[tilespmem:s29+$0x0] =	vst v6  }
0x79: {  	v6 =	vsub.f32 v3, v13;
	v4 =	vadd.f32 $1.000000000e+00, v13;
	vm1 =	vgt.s32 v12, $0x0;
	[tilespmem:s28+$0x800] =	vst v8;
	s28 =	smov.u32 s25  }
0x7a: {  	s31 =	sadd.s32 $0x20, s31;
	v8 =	vsub.f32 v9, v14;
	v13 =	vadd.f32 $1.000000000e+00, v14;
	v14 =	vnsel vm1, $0x0, v12;
	[tilespmem:s29+$0x800] =	vst v7;
	s29 =	smov.u32 s26  }
0x7b: {  	v3 =	vsub.f32 v4, v3;
	v55 =	vnsel vm0, $0x0, v11  }
0x7c: {  	v56 =	vmin.u32 v14, $0xC7;
	vm11 =	vgt.s32 v10, $0x0;
	vm1 =	vlt.u32 v10, $0xC8  }
0x7d: {  	vm12 =	vlt.u32 v11, $0xC8;
	v7 =	vsub.f32 v13, v9;
	v4 =	vmin.u32 v55, $0xC7  }
0x7e: {  	vm2 =	vgt.s32 v5, $0x0;
	v57 =	vnsel vm11, $0x0, v10;
	v4 =	vmul.u32 $0xC8, v4  }
0x7f: {  	vm13 =	vlt.u32 v12, $0xC8;
	v10 =	vmin.u32 v57, $0xC7;
	v13 =	vmul.f32 v3, v7  }
0x80: {  	vm3 =	vmand vm12, vm1;
	v9 =	vmul.u32 $0xC8, v56;
	v59 =	vadd.s32 v10, v4  }
0x81: {  	vm14 =	vlt.u32 v5, $0xC8;
	v3 =	vmul.f32 v3, v8;
	v58 =	vnsel vm3, $0x0, v13;
	[tilespmem:s25+$0xFFFFF000] =	vst v59  }
0x82: {  	v60 =	vnsel vm2, $0x0, v5;
	vm1 =	vmand vm13, vm1;
	v10 =	vadd.s32 v10, v9;
	[tilespmem:s26+$0xFFFFF000] =	vst v58  }
0x83: {  	v61 =	vmin.u32 v60, $0xC7;
	v7 =	vmul.f32 v7, v6;
	v3 =	vnsel vm1, $0x0, v3;
	[tilespmem:s25+$0xFFFFF800] =	vst v10  }
0x84: {  	vm0 =	vmand vm12, vm14;
	[tilespmem:s26+$0xFFFFF800] =	vst v3;
	v3 =	vadd.s32 v4, v61  }
0x85: {  	v62 =	vmul.f32 v6, v8;
	v63 =	vnsel vm0, $0x0, v7;
	[tilespmem:s28+$0x0] =	vst v3  }
0x86: {  	vm15 =	vmand vm13, vm14;
	v3 =	vadd.s32 v61, v9;
	[tilespmem:s29+$0x0] =	vst v63  }
0x87: {  	v4 =	vnsel vm15, $0x0, v62;
	[tilespmem:s28+$0x800] =	vst v3  }
0x88: {  	[tilespmem:s29+$0x800] =	vst v4  }
.LBB2_4:
0x89: {  	_ =	swait.ge [sflag:s19], $0x9C80  }
0x8a: {  	[sflag:s19] =	ssyncset.done $0x0  }
0x8b: {  	s25 =	simm.s32 $0x2000;
	[sflag:s19] =	ssyncadd.s32 $0xFFFF6380  }
0x8c: {  	v3 =	vld [tilespmem:s25+$0xFFFFF030]  }
0x8d: {  	v4 =	vld [tilespmem:s25+$0xFFFFF830]  }
0x8e: {  	v5 =	vld [tilespmem:s25+$0xFFFFF800]  }
0x8f: {  	v6 =	vld [tilespmem:s25+$0x30]  }
0x90: {  	v7 =	vld [tilespmem:s25+$0xFFFFF010]  }
0x91: {  	v8 =	vld [tilespmem:s25+$0x830]  }
0x92: {  	s24 =	simm.s32 $0x4000;
	v9 =	vld [tilespmem:s25+$0xFFFFF810]  }
0x93: {  	v10 =	vld [tilespmem:s24+$0xFFFFF030]  }
0x94: {  	v11 =	vld [tilespmem:s24+$0xFFFFF830]  }
0x95: {  	v12 =	vld [tilespmem:s24+$0x30]  }
0x96: {  	v13 =	vld [tilespmem:s24+$0x830]  }
0x97: {  	v14 =	vld [tilespmem:s25+$0xFFFFF020]  }
0x98: {  	v15 =	vld [tilespmem:s25+$0xFFFFF820]  }
0x99: {  	v16 =	vld [tilespmem:s25+$0xFFFFF000]  }
0x9a: {  	v17 =	vld [tilespmem:s25+$0x0]  }
0x9b: {  	v18 =	vld [tilespmem:s25+$0x10]  }
0x9c: {  	v19 =	vld [tilespmem:s25+$0x20]  }
0x9d: {  	v20 =	vld [tilespmem:s25+$0x800]  }
0x9e: {  	v21 =	vld [tilespmem:s25+$0x810]  }
0x9f: {  	v22 =	vld [tilespmem:s25+$0x820]  }
0xa0: {  	v23 =	vld [tilespmem:s24+$0xFFFFF000]  }
0xa1: {  	v24 =	vld [tilespmem:s24+$0xFFFFF800]  }
0xa2: {  	v25 =	vld [tilespmem:s24+$0xFFFFF010]  }
0xa3: {  	v26 =	vld [tilespmem:s24+$0xFFFFF810]  }
0xa4: {  	v27 =	vld [tilespmem:s24+$0xFFFFF020]  }
0xa5: {  	v28 =	vld [tilespmem:s24+$0xFFFFF820]  }
0xa6: {  	v3 =	vld.idx.msk [tilespmem:v3+s15+$0x0], $0xffff  }
0xa7: {  	v4 =	vld.idx.msk [tilespmem:v4+s15+$0x0], $0xffff  }
0xa8: {  	v6 =	vld.idx.msk [tilespmem:v6+s15+$0x0], $0xffff  }
0xa9: {  	v8 =	vld.idx.msk [tilespmem:v8+s15+$0x0], $0xffff  }
0xaa: {  	v5 =	vld.idx.msk [tilespmem:v5+s15+$0x0], $0xffff  }
0xab: {  	v16 =	vld.idx.msk [tilespmem:v16+s15+$0x0], $0xffff  }
0xac: {  	v7 =	vld.idx.msk [tilespmem:v7+s15+$0x0], $0xffff  }
0xad: {  	v9 =	vld.idx.msk [tilespmem:v9+s15+$0x0], $0xffff  }
0xae: {  	v14 =	vld.idx.msk [tilespmem:v14+s15+$0x0], $0xffff  }
0xaf: {  	v15 =	vld.idx.msk [tilespmem:v15+s15+$0x0], $0xffff  }
0xb0: {  	v17 =	vld.idx.msk [tilespmem:v17+s15+$0x0], $0xffff  }
0xb1: {  	v3 =	vmul.f32 v10, v3;
	v4 =	vmul.f32 v11, v4;
	v10 =	vld.idx.msk [tilespmem:v18+s15+$0x0], $0xffff  }
0xb2: {  	v11 =	vld.idx.msk [tilespmem:v19+s15+$0x0], $0xffff  }
0xb3: {  	v3 =	vadd.f32 v4, v3;
	v4 =	vmul.f32 v12, v6;
	v6 =	vld [tilespmem:s24+$0x0]  }
0xb4: {  	v8 =	vmul.f32 v13, v8;
	v12 =	vld [tilespmem:s24+$0x10]  }
0xb5: {  	v13 =	vld [tilespmem:s24+$0x20];
	v7 =	vmul.f32 v25, v7;
	v9 =	vmul.f32 v26, v9  }
0xb6: {  	v16 =	vmul.f32 v23, v16;
	v61 =	vmul.f32 v24, v5;
	v5 =	vld.idx.msk [tilespmem:v21+s15+$0x0], $0xffff  }
0xb7: {  	v62 =	vadd.f32 v9, v7;
	v9 =	vld [tilespmem:s24+$0x800];
	v4 =	vadd.f32 v4, v3  }
0xb8: {  	v14 =	vmul.f32 v27, v14;
	v15 =	vmul.f32 v28, v15;
	v16 =	vadd.f32 v61, v16;
	v3 =	vld.idx.msk [tilespmem:v20+s15+$0x0], $0xffff  }
0xb9: {  	v8 =	vadd.f32 v8, v4;
	v4 =	vld.idx.msk [tilespmem:v22+s15+$0x0], $0xffff;
	v6 =	vmul.f32 v6, v17;
	v63 =	vmul.f32 v12, v10  }
0xba: {  	s25 =	simm.s32 $0x18920;
	v7 =	vadd.f32 v15, v14;
	v10 =	vld [tilespmem:s24+$0x810];
	v12 =	vmul.f32 v13, v11  }
0xbb: {  	s26 =	simm.s32 $0x0;
	s28 =	simm.s32 $0x2040;
	v11 =	vld [tilespmem:s24+$0x820];
	[tilespmem:s25+$0x10] =	vst v8;
	v8 =	vadd.f32 v6, v16;
	v6 =	vadd.f32 v63, v62  }
.LBB2_5:
0xbc: {  	v13 =	vld [tilespmem:s28+$0xFFFFF030];
	v7 =	vadd.f32 v12, v7  }
0xbd: {  	s26 =	sadd.s32 $0x4, s26;
	v12 =	vld [tilespmem:s28+$0xFFFFF830]  }
0xbe: {  	p0 =	slt.u32 s26, $0x3C;
	v14 =	vld [tilespmem:s28+$0xFFFFF800];
	v3 =	vmul.f32 v9, v3  }
0xbf: {  	v9 =	vld [tilespmem:s28+$0x30];
	v5 =	vmul.f32 v10, v5  }
0xc0: {  	v10 =	vld [tilespmem:s28+$0xFFFFF010];
	v3 =	vadd.f32 v3, v8;
	v4 =	vmul.f32 v11, v4  }
0xc1: {  	v8 =	vld [tilespmem:s28+$0x830];
	v5 =	vadd.f32 v5, v6  }
0xc2: {  	s24 =	sadd.s32 $0x40, s24;
	v6 =	vld [tilespmem:s28+$0xFFFFF810];
	[tilespmem:s25+$0xFFFFFFE0] =	vst v3;
	v3 =	vadd.f32 v4, v7  }
0xc3: {  	v4 =	vld [tilespmem:s24+$0xFFFFF030];
	[tilespmem:s25+$0xFFFFFFF0] =	vst v5  }
0xc4: {  	v5 =	vld.idx.msk [tilespmem:v13+s15+$0x0], $0xffff;
	[tilespmem:s25+$0x0] =	vst v3  }
0xc5: {  	v3 =	vld.idx.msk [tilespmem:v12+s15+$0x0], $0xffff  }
0xc6: {  	v7 =	vld [tilespmem:s24+$0xFFFFF830]  }
0xc7: {  	v9 =	vld.idx.msk [tilespmem:v9+s15+$0x0], $0xffff  }
0xc8: {  	v11 =	vld [tilespmem:s24+$0x30]  }
0xc9: {  	v8 =	vld.idx.msk [tilespmem:v8+s15+$0x0], $0xffff  }
0xca: {  	v12 =	vld [tilespmem:s24+$0x830]  }
0xcb: {  	v4 =	vmul.f32 v4, v5;
	v13 =	vld [tilespmem:s28+$0xFFFFF020];
	v3 =	vmul.f32 v7, v3  }
0xcc: {  	v5 =	vld [tilespmem:s28+$0xFFFFF820]  }
0xcd: {  	v7 =	vld [tilespmem:s28+$0xFFFFF000];
	v3 =	vadd.f32 v3, v4;
	v4 =	vmul.f32 v11, v9  }
0xce: {  	v9 =	vld [tilespmem:s28+$0x0]  }
0xcf: {  	v11 =	vld [tilespmem:s28+$0x10];
	v3 =	vadd.f32 v4, v3;
	v4 =	vmul.f32 v12, v8  }
0xd0: {  	v8 =	vld [tilespmem:s28+$0x20]  }
0xd1: {  	v12 =	vld [tilespmem:s28+$0x800];
	v3 =	vadd.f32 v4, v3  }
0xd2: {  	s25 =	sadd.s32 $0x40, s25;
	v4 =	vld [tilespmem:s28+$0x810]  }
0xd3: {  	v15 =	vld [tilespmem:s28+$0x820];
	[tilespmem:s25+$0x10] =	vst v3  }
0xd4: {  	v3 =	vld.idx.msk [tilespmem:v14+s15+$0x0], $0xffff  }
0xd5: {  	v7 =	vld.idx.msk [tilespmem:v7+s15+$0x0], $0xffff  }
0xd6: {  	v10 =	vld.idx.msk [tilespmem:v10+s15+$0x0], $0xffff  }
0xd7: {  	v6 =	vld.idx.msk [tilespmem:v6+s15+$0x0], $0xffff  }
0xd8: {  	v13 =	vld.idx.msk [tilespmem:v13+s15+$0x0], $0xffff  }
0xd9: {  	v5 =	vld.idx.msk [tilespmem:v5+s15+$0x0], $0xffff  }
0xda: {  	v14 =	vld [tilespmem:s24+$0xFFFFF000]  }
0xdb: {  	v16 =	vld [tilespmem:s24+$0xFFFFF800]  }
0xdc: {  	v17 =	vld [tilespmem:s24+$0xFFFFF010]  }
0xdd: {  	v18 =	vld [tilespmem:s24+$0xFFFFF810]  }
0xde: {  	v19 =	vld [tilespmem:s24+$0xFFFFF020]  }
0xdf: {  	v7 =	vmul.f32 v14, v7;
	v14 =	vld [tilespmem:s24+$0xFFFFF820]  }
0xe0: {  	v9 =	vld.idx.msk [tilespmem:v9+s15+$0x0], $0xffff;
	v3 =	vmul.f32 v16, v3  }
0xe1: {  	v11 =	vld.idx.msk [tilespmem:v11+s15+$0x0], $0xffff;
	v10 =	vmul.f32 v17, v10  }
0xe2: {  	v16 =	vadd.f32 v3, v7;
	v3 =	vmul.f32 v18, v6;
	v6 =	vld.idx.msk [tilespmem:v8+s15+$0x0], $0xffff  }
0xe3: {  	v8 =	vld [tilespmem:s24+$0x0];
	v7 =	vmul.f32 v19, v13  }
0xe4: {  	v13 =	vadd.f32 v3, v10;
	v10 =	vld [tilespmem:s24+$0x10];
	v5 =	vmul.f32 v14, v5  }
0xe5: {  	v14 =	vld [tilespmem:s24+$0x20]  }
0xe6: {  	v3 =	vld.idx.msk [tilespmem:v12+s15+$0x0], $0xffff;
	v7 =	vadd.f32 v5, v7  }
.Ltmp1:
0xe7: {  	v5 =	vld.idx.msk [tilespmem:v4+s15+$0x0], $0xffff;
	(pc) =	sbr.rel @p0 .LBB2_5-.Ltmp1, $4  }
0xe8: {  	v8 =	vmul.f32 v8, v9;
	v4 =	vld.idx.msk [tilespmem:v15+s15+$0x0], $0xffff  }
0xe9: {  	v9 =	vld [tilespmem:s24+$0x800];
	v11 =	vmul.f32 v10, v11  }
0xea: {  	v8 =	vadd.f32 v8, v16;
	v10 =	vld [tilespmem:s24+$0x810];
	v12 =	vmul.f32 v14, v6  }
0xeb: {  	s28 =	sadd.s32 $0x40, s28;
	v6 =	vadd.f32 v11, v13;
	v11 =	vld [tilespmem:s24+$0x820]  }
0xec: {  	_ = 	snop  }
0xed: {  	s24 =	sor.u32 s4, s23;
	p0 =	seq.s32 s23, $0x7  }
0xee: {  	s26 =	sadd.s32 @!p0 $0x1, s24;
	v3 =	vmul.f32 v9, v3  }
0xef: {  	s28 =	sshrl.u32 @!p0 s26, $0x3;
	v5 =	vmul.f32 v10, v5  }
0xf0: {  	v7 =	vadd.f32 v12, v7;
	s26 =	sshll.u32 @!p0 s26, $0x7;
	s28 =	smul.u32 @!p0 $0x4E400, s28;
	v3 =	vadd.f32 v3, v8;
	v4 =	vmul.f32 v11, v4  }
0xf1: {  	s26 =	sand.u32 @!p0 $0x380, s26;
	v5 =	vadd.f32 v5, v6  }
0xf2: {  	s26 =	sor.u32 @!p0 s26, s28;
	[tilespmem:s25+$0xFFFFFFE0] =	vst v3;
	v3 =	vadd.f32 v4, v7  }
0xf3: {  	s29 =	simm.s32 @!p0 $0x5000;
	s26 =	sshrl.u32 @!p0 s26, $0x3;
	[tilespmem:s25+$0xFFFFFFF0] =	vst v5  }
0xf4: {  	s28 =	simm.s32 @!p0 $0x400;
	s26 =	sadd.s32 @!p0 s6, s26;
	[tilespmem:s25+$0x0] =	vst v3;
	s25 =	simm.s32 @!p0 $0x80  }
0xf5: {  	[tilespmem:s29], [sflag:$0x1] =	stream.strided.gather @!p0 [hbm4b:s26+s25], $0x9C80, s28, s25, $0x38;
	[tilespmem:$0x18D00] =	vst v63  }
0xf6: {  	s26 =	sshll.u32 s23, $0x4  }
0xf7: {  	s25 =	sadd.s32 s10, s26  }
0xf8: {  	s31 =	sadd.s32 s7, s25  }
0xf9: {  	[hbm4b:s31+s13] =	stream.strided.scatter [tilespmem:s20], [sflag:$0x3], $0x400, s14, s13, $0x38;
	[tilespmem:$0x18D00] =	vst v63  }
0xfa: {  	_ =	swait.ge [sflag:s17], $0x400  }
0xfb: {  	[sflag:s17] =	ssyncset.done $0x0  }
0xfc: {  	[sflag:s17] =	ssyncadd.s32 $0xFFFFFC00  }
0xfd: {  	_ =	swait.ge [sflag:s21], $0x9C80  }
0xfe: {  	[sflag:s21] =	ssyncset.done $0x0  }
0xff: {  	s28 =	simm.s32 $0x2400;
	[sflag:s21] =	ssyncadd.s32 $0xFFFF6380  }
0x100: {  	v3 =	vld [tilespmem:s28+$0xFFFFF030]  }
0x101: {  	v4 =	vld [tilespmem:s28+$0xFFFFF830]  }
0x102: {  	v5 =	vld [tilespmem:s28+$0xFFFFF800]  }
0x103: {  	v6 =	vld [tilespmem:s28+$0x30]  }
0x104: {  	v7 =	vld [tilespmem:s28+$0xFFFFF010]  }
0x105: {  	v8 =	vld [tilespmem:s28+$0x830]  }
0x106: {  	s26 =	simm.s32 $0x4400;
	v9 =	vld [tilespmem:s28+$0xFFFFF810]  }
0x107: {  	v10 =	vld [tilespmem:s26+$0xFFFFF030]  }
0x108: {  	v11 =	vld [tilespmem:s26+$0xFFFFF830]  }
0x109: {  	v12 =	vld [tilespmem:s26+$0x30]  }
0x10a: {  	v13 =	vld [tilespmem:s26+$0x830]  }
0x10b: {  	v14 =	vld [tilespmem:s28+$0xFFFFF020]  }
0x10c: {  	v15 =	vld [tilespmem:s28+$0xFFFFF820]  }
0x10d: {  	v16 =	vld [tilespmem:s28+$0xFFFFF000]  }
0x10e: {  	v17 =	vld [tilespmem:s28+$0x0]  }
0x10f: {  	v18 =	vld [tilespmem:s28+$0x10]  }
0x110: {  	v19 =	vld [tilespmem:s28+$0x20]  }
0x111: {  	v20 =	vld [tilespmem:s28+$0x800]  }
0x112: {  	v21 =	vld [tilespmem:s28+$0x810]  }
0x113: {  	v22 =	vld [tilespmem:s28+$0x820]  }
0x114: {  	v23 =	vld [tilespmem:s26+$0xFFFFF000]  }
0x115: {  	v24 =	vld [tilespmem:s26+$0xFFFFF800]  }
0x116: {  	v25 =	vld [tilespmem:s26+$0xFFFFF010]  }
0x117: {  	v26 =	vld [tilespmem:s26+$0xFFFFF810]  }
0x118: {  	v27 =	vld [tilespmem:s26+$0xFFFFF020]  }
0x119: {  	v28 =	vld [tilespmem:s26+$0xFFFFF820]  }
0x11a: {  	v3 =	vld.idx.msk [tilespmem:v3+s16+$0x0], $0xffff  }
0x11b: {  	v4 =	vld.idx.msk [tilespmem:v4+s16+$0x0], $0xffff  }
0x11c: {  	v6 =	vld.idx.msk [tilespmem:v6+s16+$0x0], $0xffff  }
0x11d: {  	v8 =	vld.idx.msk [tilespmem:v8+s16+$0x0], $0xffff  }
0x11e: {  	v5 =	vld.idx.msk [tilespmem:v5+s16+$0x0], $0xffff  }
0x11f: {  	v16 =	vld.idx.msk [tilespmem:v16+s16+$0x0], $0xffff  }
0x120: {  	v7 =	vld.idx.msk [tilespmem:v7+s16+$0x0], $0xffff  }
0x121: {  	v9 =	vld.idx.msk [tilespmem:v9+s16+$0x0], $0xffff  }
0x122: {  	v14 =	vld.idx.msk [tilespmem:v14+s16+$0x0], $0xffff  }
0x123: {  	v15 =	vld.idx.msk [tilespmem:v15+s16+$0x0], $0xffff  }
0x124: {  	v17 =	vld.idx.msk [tilespmem:v17+s16+$0x0], $0xffff  }
0x125: {  	v3 =	vmul.f32 v10, v3;
	v4 =	vmul.f32 v11, v4;
	v10 =	vld.idx.msk [tilespmem:v18+s16+$0x0], $0xffff  }
0x126: {  	v11 =	vld.idx.msk [tilespmem:v19+s16+$0x0], $0xffff  }
0x127: {  	v3 =	vadd.f32 v4, v3;
	v4 =	vmul.f32 v12, v6;
	v6 =	vld [tilespmem:s26+$0x0]  }
0x128: {  	v8 =	vmul.f32 v13, v8;
	v12 =	vld [tilespmem:s26+$0x10]  }
0x129: {  	v13 =	vld [tilespmem:s26+$0x20];
	v7 =	vmul.f32 v25, v7;
	v9 =	vmul.f32 v26, v9  }
0x12a: {  	v16 =	vmul.f32 v23, v16;
	v61 =	vmul.f32 v24, v5;
	v5 =	vld.idx.msk [tilespmem:v21+s16+$0x0], $0xffff  }
0x12b: {  	v62 =	vadd.f32 v9, v7;
	v9 =	vld [tilespmem:s26+$0x800];
	v4 =	vadd.f32 v4, v3  }
0x12c: {  	v14 =	vmul.f32 v27, v14;
	v15 =	vmul.f32 v28, v15;
	v16 =	vadd.f32 v61, v16;
	v3 =	vld.idx.msk [tilespmem:v20+s16+$0x0], $0xffff  }
0x12d: {  	v8 =	vadd.f32 v8, v4;
	v4 =	vld.idx.msk [tilespmem:v22+s16+$0x0], $0xffff;
	v6 =	vmul.f32 v6, v17;
	v63 =	vmul.f32 v12, v10  }
0x12e: {  	s28 =	simm.s32 $0x18920;
	v7 =	vadd.f32 v15, v14;
	v10 =	vld [tilespmem:s26+$0x810];
	v12 =	vmul.f32 v13, v11  }
0x12f: {  	s30 =	simm.s32 $0x2440;
	s29 =	simm.s32 $0x0;
	v11 =	vld [tilespmem:s26+$0x820];
	[tilespmem:s28+$0x10] =	vst v8;
	v8 =	vadd.f32 v6, v16;
	v6 =	vadd.f32 v63, v62  }
.LBB2_7:
0x130: {  	v13 =	vld [tilespmem:s30+$0xFFFFF030];
	v7 =	vadd.f32 v12, v7  }
0x131: {  	s29 =	sadd.s32 $0x4, s29;
	v12 =	vld [tilespmem:s30+$0xFFFFF830]  }
0x132: {  	p1 =	slt.u32 s29, $0x3C;
	v14 =	vld [tilespmem:s30+$0xFFFFF800];
	v3 =	vmul.f32 v9, v3  }
0x133: {  	v9 =	vld [tilespmem:s30+$0x30];
	v5 =	vmul.f32 v10, v5  }
0x134: {  	v10 =	vld [tilespmem:s30+$0xFFFFF010];
	v3 =	vadd.f32 v3, v8;
	v4 =	vmul.f32 v11, v4  }
0x135: {  	v8 =	vld [tilespmem:s30+$0x830];
	v5 =	vadd.f32 v5, v6  }
0x136: {  	s26 =	sadd.s32 $0x40, s26;
	v6 =	vld [tilespmem:s30+$0xFFFFF810];
	[tilespmem:s28+$0xFFFFFFE0] =	vst v3;
	v3 =	vadd.f32 v4, v7  }
0x137: {  	v4 =	vld [tilespmem:s26+$0xFFFFF030];
	[tilespmem:s28+$0xFFFFFFF0] =	vst v5  }
0x138: {  	v5 =	vld.idx.msk [tilespmem:v13+s16+$0x0], $0xffff;
	[tilespmem:s28+$0x0] =	vst v3  }
0x139: {  	v3 =	vld.idx.msk [tilespmem:v12+s16+$0x0], $0xffff  }
0x13a: {  	v7 =	vld [tilespmem:s26+$0xFFFFF830]  }
0x13b: {  	v9 =	vld.idx.msk [tilespmem:v9+s16+$0x0], $0xffff  }
0x13c: {  	v11 =	vld [tilespmem:s26+$0x30]  }
0x13d: {  	v8 =	vld.idx.msk [tilespmem:v8+s16+$0x0], $0xffff  }
0x13e: {  	v12 =	vld [tilespmem:s26+$0x830]  }
0x13f: {  	v4 =	vmul.f32 v4, v5;
	v13 =	vld [tilespmem:s30+$0xFFFFF020];
	v3 =	vmul.f32 v7, v3  }
0x140: {  	v5 =	vld [tilespmem:s30+$0xFFFFF820]  }
0x141: {  	v7 =	vld [tilespmem:s30+$0xFFFFF000];
	v3 =	vadd.f32 v3, v4;
	v4 =	vmul.f32 v11, v9  }
0x142: {  	v9 =	vld [tilespmem:s30+$0x0]  }
0x143: {  	v11 =	vld [tilespmem:s30+$0x10];
	v3 =	vadd.f32 v4, v3;
	v4 =	vmul.f32 v12, v8  }
0x144: {  	v8 =	vld [tilespmem:s30+$0x20]  }
0x145: {  	v12 =	vld [tilespmem:s30+$0x800];
	v3 =	vadd.f32 v4, v3  }
0x146: {  	s28 =	sadd.s32 $0x40, s28;
	v4 =	vld [tilespmem:s30+$0x810]  }
0x147: {  	v15 =	vld [tilespmem:s30+$0x820];
	[tilespmem:s28+$0x10] =	vst v3  }
0x148: {  	v3 =	vld.idx.msk [tilespmem:v14+s16+$0x0], $0xffff  }
0x149: {  	v7 =	vld.idx.msk [tilespmem:v7+s16+$0x0], $0xffff  }
0x14a: {  	v10 =	vld.idx.msk [tilespmem:v10+s16+$0x0], $0xffff  }
0x14b: {  	v6 =	vld.idx.msk [tilespmem:v6+s16+$0x0], $0xffff  }
0x14c: {  	v13 =	vld.idx.msk [tilespmem:v13+s16+$0x0], $0xffff  }
0x14d: {  	v5 =	vld.idx.msk [tilespmem:v5+s16+$0x0], $0xffff  }
0x14e: {  	v14 =	vld [tilespmem:s26+$0xFFFFF000]  }
0x14f: {  	v16 =	vld [tilespmem:s26+$0xFFFFF800]  }
0x150: {  	v17 =	vld [tilespmem:s26+$0xFFFFF010]  }
0x151: {  	v18 =	vld [tilespmem:s26+$0xFFFFF810]  }
0x152: {  	v19 =	vld [tilespmem:s26+$0xFFFFF020]  }
0x153: {  	v7 =	vmul.f32 v14, v7;
	v14 =	vld [tilespmem:s26+$0xFFFFF820]  }
0x154: {  	v9 =	vld.idx.msk [tilespmem:v9+s16+$0x0], $0xffff;
	v3 =	vmul.f32 v16, v3  }
0x155: {  	v11 =	vld.idx.msk [tilespmem:v11+s16+$0x0], $0xffff;
	v10 =	vmul.f32 v17, v10  }
0x156: {  	v16 =	vadd.f32 v3, v7;
	v3 =	vmul.f32 v18, v6;
	v6 =	vld.idx.msk [tilespmem:v8+s16+$0x0], $0xffff  }
0x157: {  	v8 =	vld [tilespmem:s26+$0x0];
	v7 =	vmul.f32 v19, v13  }
0x158: {  	v13 =	vadd.f32 v3, v10;
	v10 =	vld [tilespmem:s26+$0x10];
	v5 =	vmul.f32 v14, v5  }
0x159: {  	v14 =	vld [tilespmem:s26+$0x20]  }
0x15a: {  	v3 =	vld.idx.msk [tilespmem:v12+s16+$0x0], $0xffff;
	v7 =	vadd.f32 v5, v7  }
.Ltmp2:
0x15b: {  	v5 =	vld.idx.msk [tilespmem:v4+s16+$0x0], $0xffff;
	(pc) =	sbr.rel @p1 .LBB2_7-.Ltmp2, $4  }
0x15c: {  	v8 =	vmul.f32 v8, v9;
	v4 =	vld.idx.msk [tilespmem:v15+s16+$0x0], $0xffff  }
0x15d: {  	v9 =	vld [tilespmem:s26+$0x800];
	v11 =	vmul.f32 v10, v11  }
0x15e: {  	v8 =	vadd.f32 v8, v16;
	v10 =	vld [tilespmem:s26+$0x810];
	v12 =	vmul.f32 v14, v6  }
0x15f: {  	s30 =	sadd.s32 $0x40, s30;
	v6 =	vadd.f32 v11, v13;
	v11 =	vld [tilespmem:s26+$0x820]  }
0x160: {  	_ =	sdelay $0x1  }
0x161: {  	s24 =	sadd.s32 @!p0 $0x101, s24;
	v3 =	vmul.f32 v9, v3  }
0x162: {  	s26 =	sshrl.u32 @!p0 s24, $0x3;
	v5 =	vmul.f32 v10, v5  }
0x163: {  	v7 =	vadd.f32 v12, v7;
	s24 =	sshll.u32 @!p0 s24, $0x7;
	s26 =	smul.u32 @!p0 $0x4E400, s26;
	v3 =	vadd.f32 v3, v8;
	v4 =	vmul.f32 v11, v4  }
0x164: {  	s24 =	sand.u32 @!p0 $0x380, s24;
	v5 =	vadd.f32 v5, v6  }
0x165: {  	s24 =	sor.u32 @!p0 s24, s26;
	[tilespmem:s28+$0xFFFFFFE0] =	vst v3;
	v3 =	vadd.f32 v4, v7  }
0x166: {  	s29 =	simm.s32 @!p0 $0xEC80;
	s23 =	sadd.s32 $0x1, s23;
	s24 =	sshrl.u32 @!p0 s24, $0x3;
	[tilespmem:s28+$0xFFFFFFF0] =	vst v5  }
0x167: {  	s26 =	simm.s32 @!p0 $0x80;
	s24 =	sadd.s32 @!p0 s6, s24;
	[tilespmem:s28+$0x0] =	vst v3;
	s28 =	simm.s32 @!p0 $0x400  }
0x168: {  	[tilespmem:s29], [sflag:$0x2] =	stream.strided.gather @!p0 [hbm4b:s24+s26], $0x9C80, s28, s26, $0x38;
	[tilespmem:$0x18D00] =	vst v63  }
0x169: {  	p0 =	sne.s32 s23, $0x8  }
.Ltmp3:
0x16a: {  	s31 =	sadd.s32 s25, s11;
	(pc) =	sbr.rel @p0 .LBB2_4-.Ltmp3, $4  }
0x16b: {  	[hbm4b:s31+s13] =	stream.strided.scatter [tilespmem:s20], [sflag:$0x3], $0x400, s14, s13, $0x38;
	[tilespmem:$0x18D00] =	vst v63  }
0x16c: {  	_ =	swait.ge [sflag:s17], $0x400  }
0x16d: {  	[sflag:s17] =	ssyncset.done $0x0  }
0x16e: {  	[sflag:s17] =	ssyncadd.s32 $0xFFFFFC00  }
0x16f: {  	s22 =	sadd.s32 $0x1, s22  }
0x170: {  	p0 =	sne.s32 s22, s12  }
.Ltmp4:
0x171: {  	_ = 	snop;
	(pc) =	sbr.rel @p0 .LBB2_1-.Ltmp4, $1  }
0x172: {  	_ =	sdelay $0x3  }
0x173: {  	_ =	sfence.sel $0x180000  }
0x174: {  	[bflag:$0x0] =	sbarrier.arrive $0xFFFF  }
0x175: {  	p0 =	sne.s32 s2, $0x0;
	_ =	strace $0x9000004A  }
0x176: {  	s0 =	sadd.s32 @!p0 $0x100000, s0;
	[bflag:$0x2] =	sbarrier.arrive $0xFFFF  }
0x177: {  	[sflag:s0] =	ssyncadd.tile.s32 @!p0 $0x1;
	_ =	shalt  }
.Lfunc_end2:
_tile_overlayer_lowered:
.L_overlay_start_2:
0x178: {  	(tag) =	ssettag $0x2  }
0x179: {  	s0 =	rddreg [dreg:$0x0];
	s2 =	stileid.u32  }
0x17a: {  	s1 =	rddreg [dreg:$0x1];
	p0 =	sne.s32 s2, $0x0  }
0x17b: {  	s3 =	rddreg [dreg:$0x2];
	[bflag:$0x3] =	sbarrier.arrive $0xFFFF;
	s2 =	simm.s32 @!p0 $0x1C03  }
0x17c: {  	[timem:s3], [sflag:s2] =	dma.local @!p0 [hbm:s0], s1  }
0x17d: {  	s0 =	simm.s32 @!p0 $0x3  }
0x17e: {  	_ =	swait.ge @!p0 [sflag:s0], s1  }
0x17f: {  	s1 =	ssub.s32 @!p0 $0x0, s1;
	[sflag:s0] =	ssyncset.done @!p0 $0x0  }
0x180: {  	[sflag:s0] =	ssyncadd.s32 @!p0 s1  }
0x181: {  	[bflag:$0x3] =	sbarrier.arrive $0xFFFF  }
0x182: {  	_ =	shalt  }

// kernel: sparse-core-data-format-call.cloned.1.call-start
scs
called_computation_lowered:
.L_overlay_start_0:
0x0: {  	s2 =	sld [smem:$0x3FD9]  }
0x1: {  	s3 =	sld [smem:$0x3FFE];
	_ =	sdelay $0x1  }
0x2: {  	s1 =	srdreg.scid  }
0x3: {  	s0 =	sand.u32 $0x1, s1  }
0x4: {  	s18 =	sshll.u32 s0, $0xA;
	s2 =	sadd.s32 s3, s2  }
0x5: {  	s2 =	sadd.s32 s2, s18  }
0x6: {  	[smem:$0x3FC3] =	sst s2  }
0x7: {  	_ = 	snop  }
0x8: {  	s2 =	sld [smem:$0x3FC7];
	(tm) =	ssettm $0x1  }
0x9: {  	s19 =	sld [smem:$0x3FFB];
	_ =	sdelay $0x3  }
0xa: {  	_ =	strace s19  }
0xb: {  	s3 =	sld [smem:$0x3FFC];
	_ =	sdelay $0x3  }
0xc: {  	_ =	strace s3  }
0xd: {  	s3 =	sld [smem:$0x3FFD];
	_ =	sdelay $0x3  }
0xe: {  	_ =	strace s3  }
0xf: {  	_ =	strace $0x8FFFFFFF  }
0x10: {  	s20 =	sld [smem:$0x3FDB];
	_ =	sdelay $0x1  }
0x11: {  	s4 =	simm.s32 $_scs_section_size  }
0x12: {  	s5 =	simm.s32 $_size__tile_overlayer_lowered;
	s6 =	simm.s32 $_tile_overlayer_lowered  }
0x13: {  	s23 =	simm.s32 $0x1BFF;
	s22 =	sshll.u32 s6, $0x1;
	s3 =	sadd.s32 s4, s20  }
0x14: {  	s7 =	simm.s32 $0x0;
	s21 =	sshll.u32 s5, $0x1;
	s5 =	sadd.s32 s22, s3  }
0x15: {  	[timem:s7], [sflag:s23] =	dma.local [hbm:s5], s21  }
0x16: {  	_ =	swait.ge [sflag:s23], s21  }
0x17: {  	s4 =	ssub.s32 $0x0, s21;
	[sflag:s23] =	ssyncset.done $0x0  }
0x18: {  	[sflag:s23] =	ssyncadd.s32 s4;
	_ =	sdelay $0x1  }
0x19: {  	s24 =	simm.s32 $0x1B8B  }
0x1a: {  	_ =	swait.ge [sflag:s24], $0x1  }
0x1b: {  	[sflag:s24] =	ssyncset.done $0x0  }
0x1c: {  	s26 =	simm.s32 $0x1B8E;
	s25 =	sld [smem:$0x3FFE];
	[sflag:s24] =	ssyncadd.s32 $0xFFFFFFFF  }
0x1d: {  	s27 =	simm.s32 $execute0_lowered;
	[smem:$0x3FD2] =	sst s26  }
0x1e: {  	s5 =	sshll.u32 s27, $0x1;
	_ =	strace $0x80000046;
	[dreg:$0x1] =	wrdreg $0xFFFFFFFF  }
0x1f: {  	s28 =	simm.s32 $_size_execute0_lowered;
	s3 =	sadd.s32 s3, s5;
	[dreg:$0x0] =	wrdreg $0x0  }
0x20: {  	s5 =	sshll.u32 s28, $0x1;
	[dreg:$0x2] =	wrdreg s3  }
0x21: {  	[dreg:$0x3] =	wrdreg s5  }
0x22: {  	[dreg:$0x4] =	wrdreg $0xC0  }
0x23: {  	_ =	task [dreg:s7], $0x5FFFF  }
0x24: {  	[dreg:$0x1] =	wrdreg $0xFFFFFFFF  }
0x25: {  	[dreg:$0x0] =	wrdreg $0x60  }
0x26: {  	[dreg:$0x2] =	wrdreg s2  }
0x27: {  	[dreg:$0x3] =	wrdreg s25  }
0x28: {  	[dreg:$0x4] =	wrdreg $0x9  }
0x29: {  	_ =	task.clear_ibuf [dreg:s7], $0x5FFFF;
	_ =	strace $0x90000046  }
0x2a: {  	s29 =	simm.s32 $0x9;
	_ =	strace $0x80000048  }
0x2b: {  	_ =	swait.ge [sflag:s29], $0x1  }
0x2c: {  	[sflag:s29] =	ssyncadd.s32 $0xFFFFFFFF  }
0x2d: {  	_ =	strace $0x90000048  }
0x2e: {  	_ =	sfence  }
0x2f: {  	s30 =	sld [smem:$0x0];
	_ =	sdelay $0x2  }
0x30: {  	s31 =	sshll.u32 s1, $0xD;
	s1 =	sshrl.u32 s1, $0x2  }
0x31: {  	s3 =	sand.u32 $0x4000, s31;
	s1 =	sadd.s32 s1, s30  }
0x32: {  	s0 =	sor.u32 s3, s0;
	s1 =	sshll.u32 s1, $0x11  }
0x33: {  	s0 =	sor.u32 s1, s0  }
0x34: {  	s0 =	sadd.s32 $0x8F2B, s0  }
0x35: {  	[sflag:s0] =	ssyncadd.remote.s32 $0x1  }
0x36: {  	_ =	sfence.sel $0xFFFF  }
0x37: {  	[dreg:$0x0] =	wrdreg $0xFFFFFFFF;
	(pc) =	sbr.abs _section_cstart, $3  }
0x38: {  	[dreg:$0x1] =	wrdreg $0xFFFFFFFF  }
0x39: {  	_ =	task.clear_ibuf [dreg:s7], $0x2FFFF;
	_ =	strace $0x9FFFFFFF  }
0x3a: {  	(tm) =	ssettm $0x7FFFFFFF  }
0x3b: {  	_ =	shalt  }
tec
execute0_lowered:
.L_overlay_start_1:
0x0: {  	(tag) =	ssettag $0x1  }
0x1: {  	s9 =	rddreg [dreg:$0x0];
	s0 =	srdreg.scid  }
0x2: {  	s4 =	rddreg [dreg:$0x1];
	s1 =	stileid.u32;
	s28 =	simm.s32 $0x2  }
0x3: {  	s18 =	simm.s32 $0x0;
	p0 =	por $0x0, $0x0;
	s13 =	simm.s32 $0xC800  }
0x4: {  	s20 =	simm.s32 $0x0;
	s17 =	simm.s32 $0x0;
	s19 =	simm.s32 $0x0  }
0x5: {  	s16 =	simm.s32 $0x0;
	s3 =	sshll.u32 s0, $0x7;
	s0 =	rddreg [dreg:$0x2]  }
0x6: {  	s2 =	sand.u32 $0x1, s1;
	_ =	strace $0x80000047;
	s3 =	sand.u32 $0x80, s3  }
0x7: {  	s4 =	sadd.s32 $0x1400, s4;
	s5 =	ssub.s32 $0x2, s2;
	s6 =	ssub.s32 $0x100, s3  }
0x8: {  	s10 =	sshrl.u32 s1, $0x1;
	s7 =	sshrl.u32 s5, $0x1;
	s8 =	sshrl.u32 s6, $0x7  }
0x9: {  	s5 =	sand.u32 $0x1, s5;
	s6 =	sshrl.u32 s6, $0x8;
	s8 =	sand.u32 $0x1, s8  }
0xa: {  	s27 =	sshll.u32 s1, $0x4;
	s7 =	sadd.s32 s5, s7;
	s6 =	sadd.s32 s6, s8  }
0xb: {  	s15 =	smov.u32 s2;
	s5 =	simm.s32 $0x1;
	s11 =	smul.u32 s6, s7  }
.Ltmp0:
0xc: {  	s12 =	sadd.s32 s3, s9;
	[sflag:s5] =	ssyncpa.u1 $0x0;
	(pc) =	sbr.rel .LBB1_1-.Ltmp0, $4  }
0xd: {  	[sflag:s28] =	ssyncpa.u1 $0x0;
	s6 =	sand.u32 $0x3, s10;
	s7 =	sand.u32 $0x80, s27  }
0xe: {  	s29 =	smax.u32 s7, $0x48;
	s31 =	sshll.u32 s7, $0x5;
	s8 =	smul.u32 $0x32, s11  }
0xf: {  	s14 =	smov.u32 s6;
	s30 =	sshll.u32 s29, $0x7;
	s10 =	sadd.s32 s12, s31  }
0x10: {  	s12 =	simm.s32 $0x80;
	s9 =	sxor.u32 $0x6400, s30;
	s11 =	sor.u32 $0x1, s8  }
.LBB1_4:
0x11: {  	s26 =	sshll.u32 s17, $0x8;
	v5 =	vld [tilespmem:s24+$0xFFFFFFD0];
	[tilespmem:s23+$0x2040 ss:$0x81] =	vst.msk $0xffff, v4  }
0x12: {  	s20 =	sshll.u32 s20, $0x3;
	s27 =	sshll.u32 s17, $0x7;
	v58 =	vld [tilespmem:s24+$0xFFFFFFE0];
	[tilespmem:s23+$0x2850 ss:$0x81] =	vst.msk $0xffff, v2;
	s26 =	sand.u32 $0xFFFFF800, s26  }
0x13: {  	s25 =	sshra.s32 s25, $0x2;
	v59 =	vld [tilespmem:s24+$0xFFFFFFF0];
	[tilespmem:s23+$0x3060 ss:$0x81] =	vst.msk $0xffff, v3;
	s28 =	sand.u32 $0x300, s27;
	s20 =	sor.u32 s20, s26  }
0x14: {  	v60 =	vld [tilespmem:s24+$0x0];
	[tilespmem:s23+$0x0 ss:$0x81] =	vst.msk $0xffff, v0;
	s22 =	sadd.s32 s25, s22;
	s20 =	sor.u32 s28, s20  }
0x15: {  	v61 =	vld [tilespmem:s24+$0x10];
	s19 =	smul.u32 $0x190000, s19;
	[tilespmem:s22+$0x3870 ss:$0x81] =	vst.msk $0xffff, v1;
	s20 =	sshrl.u32 s20, $0x8  }
0x16: {  	v62 =	vld [tilespmem:s24+$0x20];
	s29 =	smulhi.u32 $0x147AE15, s20;
	[tilespmem:s22+$0x810 ss:$0x81] =	vst.msk $0xffff, v5  }
0x17: {  	v63 =	vld [tilespmem:s24+$0xFFFFFFC0];
	s18 =	smul.u32 $0x1900, s18;
	[tilespmem:s22+$0x1020 ss:$0x81] =	vst.msk $0xffff, v58  }
0x18: {  	[tilespmem:s22+$0x1830 ss:$0x81] =	vst.msk $0xffff, v59;
	s23 =	smul.u32 $0xC8, s29  }
0x19: {  	s30 =	sshll.u32 s17, $0x4;
	s19 =	sadd.s32 s4, s19;
	[tilespmem:s22+$0x2040 ss:$0x81] =	vst.msk $0xffff, v60  }
0x1a: {  	s17 =	sand.u32 $0x10, s30;
	s18 =	sadd.s32 s18, s19;
	[tilespmem:s22+$0x2850 ss:$0x81] =	vst.msk $0xffff, v61;
	s20 =	ssub.s32 s20, s23  }
0x1b: {  	s17 =	sadd.s32 s17, s18;
	[tilespmem:s22+$0x3060 ss:$0x81] =	vst.msk $0xffff, v62;
	s31 =	sshll.u32 s20, $0x5  }
0x1c: {  	[tilespmem:s22+$0x0 ss:$0x81] =	vst.msk $0xffff, v63;
	s17 =	sadd.s32 s31, s17  }
0x1d: {  	[hbm4b:s17+s12] =	stream.strided.scatter [tilespmem:s21], [sflag:$0x2], $0x4000, s13, s12, $0x20;
	[tilespmem:$0x10100] =	vst v63  }
.LBB1_5:
0x1e: {  	s21 =	sadd.s32 $0x4, s14  }
0x1f: {  	s17 =	sadd.s32 $0x2, s15;
	s22 =	smov.u32 s15;
	p2 =	sgt.s32 s21, $0xC7  }
0x20: {  	s22 =	smov.u32 @p2 s17  }
0x21: {  	s21 =	smov.u32 @p2 s6;
	p2 =	sgt.s32 s22, $0x1  }
0x22: {  	p1 =	slt.u32 s16, $0x2;
	s22 =	smov.u32 @p2 s2;
	p2 =	sne.s32 s16, s11  }
.Ltmp1:
0x23: {  	s18 =	simm.s32 @!p1 $0x2;
	(pc) =	sbr.rel @!p2 .LBB1_6-.Ltmp1, $4  }
0x24: {  	s23 =	sadd.s32 $0x1, s16;
	s19 =	smov.u32 s15;
	_ =	swait.ge @!p1 [sflag:s18], $0x4000  }
0x25: {  	p0 =	por !p0, !p0;
	s20 =	smov.u32 s7;
	[sflag:s18] =	ssyncset.done @!p1 $0x0  }
0x26: {  	s17 =	smov.u32 s14;
	s14 =	smov.u32 s21;
	[sflag:s18] =	ssyncadd.s32 @!p1 $0xFFFFC000  }
0x27: {  	s18 =	smov.u32 s3;
	s16 =	smov.u32 s23;
	s15 =	smov.u32 s22  }
.LBB1_1:
0x28: {  	p1 =	sge.u32 s16, s8  }
0x29: {  	s21 =	smov.u32 s15;
	p2 =	sgt.s32 @!p1 s15, $0x1;
	s22 =	sshra.s32 @!p1 s15, $0x1F  }
0x2a: {  	s23 =	smov.u32 s14;
	p2 =	por !p2, p1;
	s22 =	sand.u32 @!p1 s22, s15  }
0x2b: {  	s21 =	simm.s32 @p2 $0x1;
	p2 =	sgt.s32 @!p1 s14, $0xC7;
	s22 =	sxor.u32 @!p1 $0xFFFFFFFF, s22  }
0x2c: {  	s24 =	sshra.s32 @!p1 s14, $0x1F;
	p2 =	por !p2, p1;
	s21 =	sadd.s32 @!p1 s22, s21  }
0x2d: {  	s22 =	sand.u32 @!p1 s24, s14;
	s23 =	simm.s32 @p2 $0xC7;
	p2 =	sgt.s32 @!p1 s21, $0x0  }
0x2e: {  	s21 =	ssub.s32 @!p1 $0x1, s21;
	s22 =	ssub.s32 @!p1 s23, s22;
	p2 =	por !p2, p1  }
0x2f: {  	s23 =	sadd.s32 @!p1 $0xFFFFFF39, s22;
	s21 =	simm.s32 @!p2 $0x0  }
0x30: {  	p2 =	sgt.s32 @!p1 s23, $0x0;
	s21 =	smul.u32 @!p1 s21, s9  }
0x31: {  	s22 =	ssub.s32 @!p1 $0xC8, s22;
	s23 =	smul.u32 @!p1 $0x138800, s15;
	p2 =	por !p2, p1  }
0x32: {  	s31 =	sadd.s32 $0xFFFFFFFF, s16;
	s24 =	smul.u32 @!p1 $0x1900, s14;
	s22 =	simm.s32 @!p2 $0x0  }
0x33: {  	s23 =	sadd.s32 @!p1 s23, s10;
	s21 =	smul.u32 @!p1 s22, s21;
	s22 =	sxor.u32 @!p1 $0xFFFFFFFF, s16  }
0x34: {  	s25 =	simm.s32 @!p1 $0x800;
	s23 =	sadd.s32 @!p1 s24, s23;
	s22 =	sshll.u32 @!p1 s22, $0xE  }
0x35: {  	s24 =	simm.s32 @!p1 $0x400;
	s22 =	sand.u32 @!p1 $0x4000, s22;
	s21 =	sand.u32 @!p1 $0x3FFFFC00, s21  }
0x36: {  	[tilespmem:s22], [sflag:$0x1] =	stream.strided.gather @!p1 [hbm4b:s23+s24], s21, s25, s24, $0x38;
	[tilespmem:$0x10100] =	vst v63  }
0x37: {  	p1 =	sge.u32 s31, s8  }
.Ltmp2:
0x38: {  	_ = 	snop;
	(pc) =	sbr.rel @p1 .LBB1_5-.Ltmp2, $1  }
0x39: {  	_ =	sdelay $0x3  }
0x3a: {  	s21 =	sshra.s32 s19, $0x1F  }
0x3b: {  	p1 =	sgt.s32 s19, $0x1;
	s22 =	smov.u32 s19;
	s21 =	sand.u32 s21, s19  }
0x3c: {  	s23 =	sshra.s32 s17, $0x1F;
	s22 =	simm.s32 @!p1 $0x1;
	s21 =	sxor.u32 $0xFFFFFFFF, s21  }
0x3d: {  	s24 =	smov.u32 s20;
	p1 =	sgt.s32 s17, $0xC7;
	s21 =	sadd.s32 s21, s22  }
0x3e: {  	s23 =	sand.u32 s23, s17;
	s22 =	smov.u32 s17;
	p2 =	sgt.s32 s21, $0x0  }
0x3f: {  	s22 =	simm.s32 @!p1 $0xC7;
	p1 =	sgt.s32 s20, $0x48;
	s21 =	sshll.u32 s21, $0x7  }
0x40: {  	s22 =	ssub.s32 s22, s23;
	s24 =	simm.s32 @!p1 $0x48;
	s21 =	ssub.s32 $0x80, s21  }
0x41: {  	s23 =	sadd.s32 $0xFFFFFF39, s22;
	s24 =	ssub.s32 $0xC8, s24;
	s21 =	simm.s32 @p2 $0x0  }
0x42: {  	s22 =	ssub.s32 $0xC8, s22;
	p1 =	sgt.s32 s23, $0x0;
	s21 =	smul.u32 s24, s21  }
0x43: {  	s22 =	simm.s32 @p1 $0x0  }
0x44: {  	s21 =	smul.u32 s22, s21;
	_ =	sdelay $0x1  }
0x45: {  	s22 =	simm.s32 $0x1;
	s21 =	sand.u32 $0x3FFFFF80, s21  }
0x46: {  	s22 =	simm.s32 @!p0 $0x0;
	_ =	swait.ge [sflag:s5], s21  }
0x47: {  	s28 =	sshll.u32 s22, $0xE;
	s21 =	ssub.s32 $0x0, s21;
	[sflag:s5] =	ssyncset.done $0x0  }
0x48: {  	s29 =	sor.u32 $0x40, s28;
	[sflag:s5] =	ssyncadd.s32 s21  }
0x49: {  	s30 =	smul.u32 $0x10200, s22;
	v0 =	vld [tilespmem:s29+$0x30]  }
0x4a: {  	v1 =	vld [tilespmem:s29+$0xFFFFFFD0]  }
0x4b: {  	s21 =	sshrl.u32 s30, $0x2;
	v5 =	vld [tilespmem:s29+$0xFFFFFFE0]  }
0x4c: {  	s22 =	sor.u32 $0x8000, s21;
	v6 =	vld [tilespmem:s29+$0xFFFFFFF0]  }
0x4d: {  	s31 =	sand.u32 $0x1, s16;
	v4 =	vld [tilespmem:s29+$0x0];
	s23 =	sadd.s32 $0x0, s22  }
0x4e: {  	s21 =	smul.u32 $0x10200, s31;
	v2 =	vld [tilespmem:s29+$0x10];
	[tilespmem:s23+$0x3870 ss:$0x81] =	vst.msk $0xffff, v0  }
0x4f: {  	v3 =	vld [tilespmem:s29+$0x20];
	[tilespmem:s23+$0x810 ss:$0x81] =	vst.msk $0xffff, v1  }
0x50: {  	s24 =	sadd.s32 $0x80, s29;
	s21 =	sshrl.u32 s21, $0x2;
	v0 =	vld [tilespmem:s29+$0xFFFFFFC0];
	[tilespmem:s23+$0x1020 ss:$0x81] =	vst.msk $0xffff, v5  }
0x51: {  	s25 =	simm.s32 $0x4;
	s26 =	simm.s32 $0x8;
	s21 =	sor.u32 $0x8000, s21;
	v1 =	vld [tilespmem:s24+$0x30];
	[tilespmem:s23+$0x1830 ss:$0x81] =	vst.msk $0xffff, v6  }
.LBB1_3:
0x52: {  	p1 =	sne.s32 s26, $0x1FC;
	v5 =	vld [tilespmem:s24+$0xFFFFFFD0];
	[tilespmem:s23+$0x2040 ss:$0x81] =	vst.msk $0xffff, v4  }
0x53: {  	v6 =	vld [tilespmem:s24+$0xFFFFFFE0];
	[tilespmem:s23+$0x2850 ss:$0x81] =	vst.msk $0xffff, v2  }
0x54: {  	s27 =	sshra.s32 s25, $0x2;
	s25 =	smov.u32 s26;
	v7 =	vld [tilespmem:s24+$0xFFFFFFF0];
	[tilespmem:s23+$0x3060 ss:$0x81] =	vst.msk $0xffff, v3  }
.Ltmp3:
0x55: {  	v4 =	vld [tilespmem:s24+$0x0];
	[tilespmem:s23+$0x0 ss:$0x81] =	vst.msk $0xffff, v0;
	s23 =	sadd.s32 s27, s22;
	(pc) =	sbr.rel @p1 .LBB1_3-.Ltmp3, $4  }
0x56: {  	v2 =	vld [tilespmem:s24+$0x10];
	[tilespmem:s23+$0x3870 ss:$0x81] =	vst.msk $0xffff, v1  }
0x57: {  	[tilespmem:s23+$0x810 ss:$0x81] =	vst.msk $0xffff, v5;
	v3 =	vld [tilespmem:s24+$0x20]  }
0x58: {  	v0 =	vld [tilespmem:s24+$0xFFFFFFC0];
	[tilespmem:s23+$0x1020 ss:$0x81] =	vst.msk $0xffff, v6;
	s24 =	sadd.s32 $0x80, s24  }
0x59: {  	s26 =	sadd.s32 $0x4, s26;
	v1 =	vld [tilespmem:s24+$0x30];
	[tilespmem:s23+$0x1830 ss:$0x81] =	vst.msk $0xffff, v7  }
.Ltmp4:
0x5a: {  	_ = 	snop;
	(pc) =	sbr.rel .LBB1_4-.Ltmp4, $1  }
0x5b: {  	_ =	sdelay $0x3  }
.LBB1_6:
0x5c: {  	_ =	sfence.sel $0x180000  }
0x5d: {  	s2 =	simm.s32 $0x1;
	[bflag:$0x0] =	sbarrier.arrive $0xFFFF  }
0x5e: {  	s31 =	simm.s32 $0x2;
	[sflag:s2] =	ssyncpa.u1 $0x1  }
0x5f: {  	[sflag:s31] =	ssyncpa.u1 $0x1  }
0x60: {  	p0 =	sne.s32 s1, $0x0;
	_ =	strace $0x90000047  }
0x61: {  	s0 =	sadd.s32 @!p0 $0x100000, s0;
	[bflag:$0x2] =	sbarrier.arrive $0xFFFF  }
0x62: {  	[sflag:s0] =	ssyncadd.tile.s32 @!p0 $0x1;
	_ =	shalt  }
.Lfunc_end1:
_tile_overlayer_lowered:
.L_overlay_start_2:
0x63: {  	(tag) =	ssettag $0x2  }
0x64: {  	s0 =	rddreg [dreg:$0x0];
	s2 =	stileid.u32  }
0x65: {  	s1 =	rddreg [dreg:$0x1];
	p0 =	sne.s32 s2, $0x0  }
0x66: {  	s3 =	rddreg [dreg:$0x2];
	[bflag:$0x3] =	sbarrier.arrive $0xFFFF;
	s2 =	simm.s32 @!p0 $0x1C01  }
0x67: {  	[timem:s3], [sflag:s2] =	dma.local @!p0 [hbm:s0], s1  }
0x68: {  	s0 =	simm.s32 @!p0 $0x1  }
0x69: {  	_ =	swait.ge @!p0 [sflag:s0], s1  }
0x6a: {  	s1 =	ssub.s32 @!p0 $0x0, s1;
	[sflag:s0] =	ssyncset.done @!p0 $0x0  }
0x6b: {  	[sflag:s0] =	ssyncadd.s32 @!p0 s1  }
0x6c: {  	[bflag:$0x3] =	sbarrier.arrive $0xFFFF  }
0x6d: {  	_ =	shalt  }

</sc_bundles>
